<compile_context>
chip_gen: v7x
topology: tpu7x:2x2x1
jax: 0.10.2.dev20260603
libtpu: 0.0.44.dev20260713+nightly
codegen_flags: <defaults>
</compile_context>

<pallas_src>
import functools

import jax
import jax.numpy as jnp
from jax import lax
from jax.experimental import pallas as pl
from jax.experimental.pallas import tpu as pltpu
from jax.experimental.pallas import tpu_sc as plsc

_C, _H, _W = 96, 512, 512
_NW = 32
_RW = _H // _NW
_NCH = _W // 16


def _compute(mask_v, src, dst):
    def row_body(r, _):
        for j in range(_NCH):
            sl = pl.ds(j * 16, 16)
            m = mask_v[r, sl] > 0.9
            dst[r, sl] = jnp.where(m, src[r, sl], 0.0)
        return 0

    lax.fori_loop(0, _RW, row_body, 0, unroll=False)


def _sc_body(c0, k, img_hbm, out_hbm, mask_v, i0, i1, o0, o1,
             smask, si0, si1, so0, so1):
    nc = 2
    wid = lax.axis_index("s") * nc + lax.axis_index("c")
    r0 = wid * _RW
    rows = pl.ds(r0, _RW)

    pltpu.async_copy(img_hbm.at[_C - 1, rows, :], mask_v, smask).wait()
    pltpu.async_copy(img_hbm.at[c0, rows, :], i0, si0)

    def pair(p, _):
        c = c0 + 2 * p
        pltpu.async_copy(img_hbm.at[c + 1, rows, :], i1, si1)
        pltpu.make_async_copy(img_hbm.at[c, rows, :], i0, si0).wait()

        @pl.when(p > 0)
        def _():
            pltpu.make_async_copy(o0, out_hbm.at[c - c0 - 2, rows, :], so0).wait()

        _compute(mask_v, i0, o0)
        pltpu.async_copy(o0, out_hbm.at[c - c0, rows, :], so0)

        @pl.when(p + 1 < k // 2)
        def _():
            pltpu.async_copy(img_hbm.at[c + 2, rows, :], i0, si0)

        pltpu.make_async_copy(img_hbm.at[c + 1, rows, :], i1, si1).wait()

        @pl.when(p > 0)
        def _():
            pltpu.make_async_copy(o1, out_hbm.at[c - c0 - 1, rows, :], so1).wait()

        _compute(mask_v, i1, o1)
        pltpu.async_copy(o1, out_hbm.at[c - c0 + 1, rows, :], so1)
        return 0

    lax.fori_loop(0, k // 2, pair, 0, unroll=False)
    last = c0 + k - 2
    pltpu.make_async_copy(o0, out_hbm.at[last - c0, rows, :], so0).wait()
    pltpu.make_async_copy(o1, out_hbm.at[last - c0 + 1, rows, :], so1).wait()


def _make_sc_select(c0, k):
    mesh = plsc.VectorSubcoreMesh(core_axis_name="c", subcore_axis_name="s")
    return pl.kernel(
        functools.partial(_sc_body, c0, k),
        out_type=jax.ShapeDtypeStruct((k, _H, _W), jnp.float32),
        mesh=mesh,
        scratch_types=[
            pltpu.VMEM((_RW, _W), jnp.float32),
            pltpu.VMEM((_RW, _W), jnp.float32),
            pltpu.VMEM((_RW, _W), jnp.float32),
            pltpu.VMEM((_RW, _W), jnp.float32),
            pltpu.VMEM((_RW, _W), jnp.float32),
            pltpu.SemaphoreType.DMA,
            pltpu.SemaphoreType.DMA,
            pltpu.SemaphoreType.DMA,
            pltpu.SemaphoreType.DMA,
            pltpu.SemaphoreType.DMA,
        ],
    )


_K = 28
_BC = 4


def _tc_select_block(x_ref, m_ref, o_ref):
    mask = m_ref[...] > 0.9
    o_ref[...] = jnp.where(mask, x_ref[...], 0.0)


def _tc_select(img):
    nblk = (_C - _K) // _BC
    return pl.pallas_call(
        _tc_select_block,
        grid=(nblk,),
        in_specs=[
            pl.BlockSpec((_BC, _H, _W), lambda i: (i + _K // _BC, 0, 0)),
            pl.BlockSpec((1, _H, _W), lambda i: (_C - 1, 0, 0)),
        ],
        out_specs=pl.BlockSpec((_BC, _H, _W), lambda i: (i, 0, 0)),
        out_shape=jax.ShapeDtypeStruct((_C - _K, _H, _W), jnp.float32),
    )(img, img)


def kernel(img):
    lo = _make_sc_select(0, _K)(img)
    hi = _tc_select(img)
    return jnp.concatenate([lo, hi], axis=0)

# --- scband reference (transcript-rebuilt; emitter-appended) ---
"""Pipeline reference for scband-my-random-white-mask-34729105555511 (READ-ONLY COPY).

The authoritative reference and input builder live on the scoring server;
editing this copy changes nothing except your own understanding.
"""

import jax, jax.numpy as jnp
import numpy as np

def setup_inputs(seed: int = 0) -> dict:
    key = jax.random.key(seed)
    img = jax.random.uniform(key, (96, 512, 512), dtype=jnp.float32)
    return {"img": img}

def reference(img):
    # torch: indexes = nonzero(img[-1] > 0.9); img_copy = zeros_like(img); img_copy[:, i, j] = img[:, i, j]
    # Equivalent fixed-shape formulation: select pixels where last-channel > 0.9, else zero.
    mask = img[-1, :, :] > 0.9
    img_copy = jnp.where(mask[None, :, :], img, jnp.zeros_like(img))
    return img_copy

if __name__ == "__main__":
    import jax
    _d = setup_inputs()
    print(jax.jit(kernel)(*tuple(_d.values())))

</pallas_src>

<mosaic_0001>
#map = affine_map<(d0, d1) -> (0, 0, 0)>
module attributes {stable_mosaic.version = 14 : i64} {
  func.func @_sc_body(%arg0: i32, %arg1: i32, %arg2: memref<96x512x512xf32, #tpu.memory_space<hbm>>, %arg3: memref<28x512x512xf32, #tpu.memory_space<hbm>>, %arg4: memref<16x512xf32, #tpu.memory_space<vmem>>, %arg5: memref<16x512xf32, #tpu.memory_space<vmem>>, %arg6: memref<16x512xf32, #tpu.memory_space<vmem>>, %arg7: memref<16x512xf32, #tpu.memory_space<vmem>>, %arg8: memref<16x512xf32, #tpu.memory_space<vmem>>, %arg9: memref<!tpu.dma_semaphore, #tpu.memory_space<semaphore_mem>>, %arg10: memref<!tpu.dma_semaphore, #tpu.memory_space<semaphore_mem>>, %arg11: memref<!tpu.dma_semaphore, #tpu.memory_space<semaphore_mem>>, %arg12: memref<!tpu.dma_semaphore, #tpu.memory_space<semaphore_mem>>, %arg13: memref<!tpu.dma_semaphore, #tpu.memory_space<semaphore_mem>>) attributes {dimension_semantics = [#tpu.dimension_semantics<core_parallel>, #tpu.dimension_semantics<subcore_parallel>], iteration_bounds = array<i64: 2, 16>, scalar_prefetch = 0 : i64, scratch_operands = 10 : i64, tpu.core_type = #tpu.core_type<sc_vector_subcore>, window_params = [{transform_indices = #map}, {transform_indices = #map}]} {
    %mul3A = arith.constant 2 : i32
    %mul3A_0 = arith.muli %arg1, %mul3A : i32
    %add3A = arith.addi %mul3A_0, %arg0 : i32
    %mul3A_1 = arith.constant 16 : i32
    %mul3A_2 = arith.muli %add3A, %mul3A_1 : i32
    %dma_start3A = arith.constant 95 : i32
    %dma_start3A_3 = arith.constant 0 : i32
    %dma_start3A_4 = tpu.memref_slice %arg2[%dma_start3A, %mul3A_2, %dma_start3A_3] : memref<96x512x512xf32, #tpu.memory_space<hbm>> -> memref<1x16x512xf32, #tpu.memory_space<hbm>>
    %dma_start3A_5 = tpu.memref_squeeze %dma_start3A_4 : memref<1x16x512xf32, #tpu.memory_space<hbm>> -> memref<16x512xf32, #tpu.memory_space<hbm>>
    %dma_start3A_6 = arith.constant 0 : i32
    %dma_start3A_7 = tpu.memref_slice %arg2[%dma_start3A, %mul3A_2, %dma_start3A_6] : memref<96x512x512xf32, #tpu.memory_space<hbm>> -> memref<1x16x512xf32, #tpu.memory_space<hbm>>
    %dma_start3A_8 = tpu.memref_squeeze %dma_start3A_7 : memref<1x16x512xf32, #tpu.memory_space<hbm>> -> memref<16x512xf32, #tpu.memory_space<hbm>>
    tpu.enqueue_dma source(%dma_start3A_8 : memref<16x512xf32, #tpu.memory_space<hbm>>) target(%arg4 : memref<16x512xf32, #tpu.memory_space<vmem>>) target_semaphore(%arg9 : memref<!tpu.dma_semaphore, #tpu.memory_space<semaphore_mem>>)
    %dma_wait3A = arith.constant 95 : i32
    %dma_wait3A_9 = arith.constant 0 : i32
    %dma_wait3A_10 = tpu.memref_slice %arg2[%dma_wait3A, %mul3A_2, %dma_wait3A_9] : memref<96x512x512xf32, #tpu.memory_space<hbm>> -> memref<1x16x512xf32, #tpu.memory_space<hbm>>
    %dma_wait3A_11 = tpu.memref_squeeze %dma_wait3A_10 : memref<1x16x512xf32, #tpu.memory_space<hbm>> -> memref<16x512xf32, #tpu.memory_space<hbm>>
    %dma_wait3A_12 = arith.constant 0 : i32
    %dma_wait3A_13 = tpu.memref_slice %arg2[%dma_wait3A, %mul3A_2, %dma_wait3A_12] : memref<96x512x512xf32, #tpu.memory_space<hbm>> -> memref<1x16x512xf32, #tpu.memory_space<hbm>>
    %dma_wait3A_14 = tpu.memref_squeeze %dma_wait3A_13 : memref<1x16x512xf32, #tpu.memory_space<hbm>> -> memref<16x512xf32, #tpu.memory_space<hbm>>
    tpu.wait_dma2 semaphore(%arg9 : memref<!tpu.dma_semaphore, #tpu.memory_space<semaphore_mem>>) src(%dma_wait3A_14 : memref<16x512xf32, #tpu.memory_space<hbm>>) dst(%arg4 : memref<16x512xf32, #tpu.memory_space<vmem>>)
    %dma_start3A_15 = arith.constant 0 : i32
    %dma_start3A_16 = arith.constant 0 : i32
    %dma_start3A_17 = tpu.memref_slice %arg2[%dma_start3A_15, %mul3A_2, %dma_start3A_16] : memref<96x512x512xf32, #tpu.memory_space<hbm>> -> memref<1x16x512xf32, #tpu.memory_space<hbm>>
    %dma_start3A_18 = tpu.memref_squeeze %dma_start3A_17 : memref<1x16x512xf32, #tpu.memory_space<hbm>> -> memref<16x512xf32, #tpu.memory_space<hbm>>
    %dma_start3A_19 = arith.constant 0 : i32
    %dma_start3A_20 = tpu.memref_slice %arg2[%dma_start3A_15, %mul3A_2, %dma_start3A_19] : memref<96x512x512xf32, #tpu.memory_space<hbm>> -> memref<1x16x512xf32, #tpu.memory_space<hbm>>
    %dma_start3A_21 = tpu.memref_squeeze %dma_start3A_20 : memref<1x16x512xf32, #tpu.memory_space<hbm>> -> memref<16x512xf32, #tpu.memory_space<hbm>>
    tpu.enqueue_dma source(%dma_start3A_21 : memref<16x512xf32, #tpu.memory_space<hbm>>) target(%arg5 : memref<16x512xf32, #tpu.memory_space<vmem>>) target_semaphore(%arg10 : memref<!tpu.dma_semaphore, #tpu.memory_space<semaphore_mem>>)
    %scan3A = arith.constant 0 : i32
    %scan3A_22 = arith.constant 0 : i32
    %scan3A_23 = arith.constant 14 : i32
    %scan3A_24 = arith.addi %scan3A_22, %scan3A_23 : i32
    %scan3A_25 = arith.constant 1 : i32
    %scan3A_26 = scf.for %scan3A_42 = %scan3A_22 to %scan3A_24 step %scan3A_25 iter_args(%scan3A_43 = %scan3A) -> (i32)  : i32 {
      %mul3A_44 = arith.constant 2 : i32
      %mul3A_45 = arith.muli %mul3A_44, %scan3A_42 : i32
      %add3A_46 = arith.constant 0 : i32
      %add3A_47 = arith.addi %add3A_46, %mul3A_45 : i32
      %add3A_48 = arith.constant 1 : i32
      %add3A_49 = arith.addi %add3A_47, %add3A_48 : i32
      %dma_start3A_50 = arith.constant 0 : i32
      %dma_start3A_51 = tpu.memref_slice %arg2[%add3A_49, %mul3A_2, %dma_start3A_50] : memref<96x512x512xf32, #tpu.memory_space<hbm>> -> memref<1x16x512xf32, #tpu.memory_space<hbm>>
      %dma_start3A_52 = tpu.memref_squeeze %dma_start3A_51 : memref<1x16x512xf32, #tpu.memory_space<hbm>> -> memref<16x512xf32, #tpu.memory_space<hbm>>
      %dma_start3A_53 = arith.constant 0 : i32
      %dma_start3A_54 = tpu.memref_slice %arg2[%add3A_49, %mul3A_2, %dma_start3A_53] : memref<96x512x512xf32, #tpu.memory_space<hbm>> -> memref<1x16x512xf32, #tpu.memory_space<hbm>>
      %dma_start3A_55 = tpu.memref_squeeze %dma_start3A_54 : memref<1x16x512xf32, #tpu.memory_space<hbm>> -> memref<16x512xf32, #tpu.memory_space<hbm>>
      tpu.enqueue_dma source(%dma_start3A_55 : memref<16x512xf32, #tpu.memory_space<hbm>>) target(%arg6 : memref<16x512xf32, #tpu.memory_space<vmem>>) target_semaphore(%arg11 : memref<!tpu.dma_semaphore, #tpu.memory_space<semaphore_mem>>)
      %dma_wait3A_56 = arith.constant 0 : i32
      %dma_wait3A_57 = tpu.memref_slice %arg2[%add3A_47, %mul3A_2, %dma_wait3A_56] : memref<96x512x512xf32, #tpu.memory_space<hbm>> -> memref<1x16x512xf32, #tpu.memory_space<hbm>>
      %dma_wait3A_58 = tpu.memref_squeeze %dma_wait3A_57 : memref<1x16x512xf32, #tpu.memory_space<hbm>> -> memref<16x512xf32, #tpu.memory_space<hbm>>
      %dma_wait3A_59 = arith.constant 0 : i32
      %dma_wait3A_60 = tpu.memref_slice %arg2[%add3A_47, %mul3A_2, %dma_wait3A_59] : memref<96x512x512xf32, #tpu.memory_space<hbm>> -> memref<1x16x512xf32, #tpu.memory_space<hbm>>
      %dma_wait3A_61 = tpu.memref_squeeze %dma_wait3A_60 : memref<1x16x512xf32, #tpu.memory_space<hbm>> -> memref<16x512xf32, #tpu.memory_space<hbm>>
      tpu.wait_dma2 semaphore(%arg10 : memref<!tpu.dma_semaphore, #tpu.memory_space<semaphore_mem>>) src(%dma_wait3A_61 : memref<16x512xf32, #tpu.memory_space<hbm>>) dst(%arg5 : memref<16x512xf32, #tpu.memory_space<vmem>>)
      %gt3A = arith.constant 0 : i32
      %gt3A_62 = arith.cmpi sgt, %scan3A_42, %gt3A : i32
      %convert_element_type3A = arith.extui %gt3A_62 : i1 to i32
      %cond3A = arith.constant 0 : i32
      %cond3A_63 = arith.cmpi ne, %convert_element_type3A, %cond3A : i32
      scf.if %cond3A_63 {
        %sub3A_115 = arith.constant 0 : i32
        %sub3A_116 = arith.subi %add3A_47, %sub3A_115 : i32
        %sub3A_117 = arith.constant 2 : i32
        %sub3A_118 = arith.subi %sub3A_116, %sub3A_117 : i32
        %dma_wait3A_119 = arith.constant 0 : i32
        %dma_wait3A_120 = tpu.memref_slice %arg3[%sub3A_118, %mul3A_2, %dma_wait3A_119] : memref<28x512x512xf32, #tpu.memory_space<hbm>> -> memref<1x16x512xf32, #tpu.memory_space<hbm>>
        %dma_wait3A_121 = tpu.memref_squeeze %dma_wait3A_120 : memref<1x16x512xf32, #tpu.memory_space<hbm>> -> memref<16x512xf32, #tpu.memory_space<hbm>>
        %dma_wait3A_122 = arith.constant 0 : i32
        %dma_wait3A_123 = tpu.memref_slice %arg3[%sub3A_118, %mul3A_2, %dma_wait3A_122] : memref<28x512x512xf32, #tpu.memory_space<hbm>> -> memref<1x16x512xf32, #tpu.memory_space<hbm>>
        %dma_wait3A_124 = tpu.memref_squeeze %dma_wait3A_123 : memref<1x16x512xf32, #tpu.memory_space<hbm>> -> memref<16x512xf32, #tpu.memory_space<hbm>>
        tpu.wait_dma2 semaphore(%arg12 : memref<!tpu.dma_semaphore, #tpu.memory_space<semaphore_mem>>) src(%arg7 : memref<16x512xf32, #tpu.memory_space<vmem>>) dst(%dma_wait3A_124 : memref<16x512xf32, #tpu.memory_space<hbm>>)
      } else {
      }
      %scan3A_64 = arith.constant 0 : i32
      %scan3A_65 = arith.constant 0 : i32
      %scan3A_66 = arith.constant 16 : i32
      %scan3A_67 = arith.addi %scan3A_65, %scan3A_66 : i32
      %scan3A_68 = arith.constant 1 : i32
      %scan3A_69 = scf.for %scan3A_115 = %scan3A_65 to %scan3A_67 step %scan3A_68 iter_args(%scan3A_116 = %scan3A_64) -> (i32)  : i32 {
        %get3A = arith.index_cast %scan3A_115 : i32 to index
        %get3A_117 = arith.constant 0 : index
        %get3A_118 = tpu.vector_load %arg4[%get3A, %get3A_117] {strides = array<i32>} : memref<16x512xf32, #tpu.memory_space<vmem>>, vector<1x16xf32>,
        %get3A_119 = vector.shape_cast %get3A_118 : vector<1x16xf32> to vector<16xf32>
        %gt3A_120 = arith.constant 0.899999976 : f32
        %gt3A_121 = vector.broadcast %gt3A_120 : f32 to vector<16xf32>
        %gt3A_122 = arith.cmpf ogt, %get3A_119, %gt3A_121 : vector<16xf32>
        %get3A_123 = arith.index_cast %scan3A_115 : i32 to index
        %get3A_124 = arith.constant 0 : index
        %get3A_125 = tpu.vector_load %arg5[%get3A_123, %get3A_124] {strides = array<i32>} : memref<16x512xf32, #tpu.memory_space<vmem>>, vector<1x16xf32>,
        %get3A_126 = vector.shape_cast %get3A_125 : vector<1x16xf32> to vector<16xf32>
        %jit3A = arith.constant 0.000000e+00 : f32
        %broadcast_in_dim3A = vector.broadcast %jit3A : f32 to vector<16xf32>
        %select_n3A = arith.select %gt3A_122, %get3A_126, %broadcast_in_dim3A : vector<16xi1>, vector<16xf32>
        %swap3A = arith.index_cast %scan3A_115 : i32 to index
        %swap3A_127 = arith.constant 0 : index
        %swap3A_128 = tpu.vector_load %arg7[%swap3A, %swap3A_127] {strides = array<i32>} : memref<16x512xf32, #tpu.memory_space<vmem>>, vector<1x16xf32>,
        %swap3A_129 = vector.shape_cast %swap3A_128 : vector<1x16xf32> to vector<16xf32>
        %swap3A_130 = vector.shape_cast %select_n3A : vector<16xf32> to vector<1x16xf32>
        tpu.vector_store %arg7[%swap3A, %swap3A_127], %swap3A_130 {strides = array<i32>} : memref<16x512xf32, #tpu.memory_space<vmem>>, vector<1x16xf32>,
        %get3A_131 = arith.index_cast %scan3A_115 : i32 to index
        %get3A_132 = arith.constant 16 : index
        %get3A_133 = tpu.vector_load %arg4[%get3A_131, %get3A_132] {strides = array<i32>} : memref<16x512xf32, #tpu.memory_space<vmem>>, vector<1x16xf32>,
        %get3A_134 = vector.shape_cast %get3A_133 : vector<1x16xf32> to vector<16xf32>
        %gt3A_135 = arith.constant 0.899999976 : f32
        %gt3A_136 = vector.broadcast %gt3A_135 : f32 to vector<16xf32>
        %gt3A_137 = arith.cmpf ogt, %get3A_134, %gt3A_136 : vector<16xf32>
        %get3A_138 = arith.index_cast %scan3A_115 : i32 to index
        %get3A_139 = arith.constant 16 : index
        %get3A_140 = tpu.vector_load %arg5[%get3A_138, %get3A_139] {strides = array<i32>} : memref<16x512xf32, #tpu.memory_space<vmem>>, vector<1x16xf32>,
        %get3A_141 = vector.shape_cast %get3A_140 : vector<1x16xf32> to vector<16xf32>
        %jit3A_142 = arith.constant 0.000000e+00 : f32
        %broadcast_in_dim3A_143 = vector.broadcast %jit3A_142 : f32 to vector<16xf32>
        %select_n3A_144 = arith.select %gt3A_137, %get3A_141, %broadcast_in_dim3A_143 : vector<16xi1>, vector<16xf32>
        %swap3A_145 = arith.index_cast %scan3A_115 : i32 to index
        %swap3A_146 = arith.constant 16 : index
        %swap3A_147 = tpu.vector_load %arg7[%swap3A_145, %swap3A_146] {strides = array<i32>} : memref<16x512xf32, #tpu.memory_space<vmem>>, vector<1x16xf32>,
        %swap3A_148 = vector.shape_cast %swap3A_147 : vector<1x16xf32> to vector<16xf32>
        %swap3A_149 = vector.shape_cast %select_n3A_144 : vector<16xf32> to vector<1x16xf32>
        tpu.vector_store %arg7[%swap3A_145, %swap3A_146], %swap3A_149 {strides = array<i32>} : memref<16x512xf32, #tpu.memory_space<vmem>>, vector<1x16xf32>,
        %get3A_150 = arith.index_cast %scan3A_115 : i32 to index
        %get3A_151 = arith.constant 32 : index
        %get3A_152 = tpu.vector_load %arg4[%get3A_150, %get3A_151] {strides = array<i32>} : memref<16x512xf32, #tpu.memory_space<vmem>>, vector<1x16xf32>,
        %get3A_153 = vector.shape_cast %get3A_152 : vector<1x16xf32> to vector<16xf32>
        %gt3A_154 = arith.constant 0.899999976 : f32
        %gt3A_155 = vector.broadcast %gt3A_154 : f32 to vector<16xf32>
        %gt3A_156 = arith.cmpf ogt, %get3A_153, %gt3A_155 : vector<16xf32>
        %get3A_157 = arith.index_cast %scan3A_115 : i32 to index
        %get3A_158 = arith.constant 32 : index
        %get3A_159 = tpu.vector_load %arg5[%get3A_157, %get3A_158] {strides = array<i32>} : memref<16x512xf32, #tpu.memory_space<vmem>>, vector<1x16xf32>,
        %get3A_160 = vector.shape_cast %get3A_159 : vector<1x16xf32> to vector<16xf32>
        %jit3A_161 = arith.constant 0.000000e+00 : f32
        %broadcast_in_dim3A_162 = vector.broadcast %jit3A_161 : f32 to vector<16xf32>
        %select_n3A_163 = arith.select %gt3A_156, %get3A_160, %broadcast_in_dim3A_162 : vector<16xi1>, vector<16xf32>
        %swap3A_164 = arith.index_cast %scan3A_115 : i32 to index
        %swap3A_165 = arith.constant 32 : index
        %swap3A_166 = tpu.vector_load %arg7[%swap3A_164, %swap3A_165] {strides = array<i32>} : memref<16x512xf32, #tpu.memory_space<vmem>>, vector<1x16xf32>,
        %swap3A_167 = vector.shape_cast %swap3A_166 : vector<1x16xf32> to vector<16xf32>
        %swap3A_168 = vector.shape_cast %select_n3A_163 : vector<16xf32> to vector<1x16xf32>
        tpu.vector_store %arg7[%swap3A_164, %swap3A_165], %swap3A_168 {strides = array<i32>} : memref<16x512xf32, #tpu.memory_space<vmem>>, vector<1x16xf32>,
        %get3A_169 = arith.index_cast %scan3A_115 : i32 to index
        %get3A_170 = arith.constant 48 : index
        %get3A_171 = tpu.vector_load %arg4[%get3A_169, %get3A_170] {strides = array<i32>} : memref<16x512xf32, #tpu.memory_space<vmem>>, vector<1x16xf32>,
        %get3A_172 = vector.shape_cast %get3A_171 : vector<1x16xf32> to vector<16xf32>
        %gt3A_173 = arith.constant 0.899999976 : f32
        %gt3A_174 = vector.broadcast %gt3A_173 : f32 to vector<16xf32>
        %gt3A_175 = arith.cmpf ogt, %get3A_172, %gt3A_174 : vector<16xf32>
        %get3A_176 = arith.index_cast %scan3A_115 : i32 to index
        %get3A_177 = arith.constant 48 : index
        %get3A_178 = tpu.vector_load %arg5[%get3A_176, %get3A_177] {strides = array<i32>} : memref<16x512xf32, #tpu.memory_space<vmem>>, vector<1x16xf32>,
        %get3A_179 = vector.shape_cast %get3A_178 : vector<1x16xf32> to vector<16xf32>
        %jit3A_180 = arith.constant 0.000000e+00 : f32
        %broadcast_in_dim3A_181 = vector.broadcast %jit3A_180 : f32 to vector<16xf32>
        %select_n3A_182 = arith.select %gt3A_175, %get3A_179, %broadcast_in_dim3A_181 : vector<16xi1>, vector<16xf32>
        %swap3A_183 = arith.index_cast %scan3A_115 : i32 to index
        %swap3A_184 = arith.constant 48 : index
        %swap3A_185 = tpu.vector_load %arg7[%swap3A_183, %swap3A_184] {strides = array<i32>} : memref<16x512xf32, #tpu.memory_space<vmem>>, vector<1x16xf32>,
        %swap3A_186 = vector.shape_cast %swap3A_185 : vector<1x16xf32> to vector<16xf32>
        %swap3A_187 = vector.shape_cast %select_n3A_182 : vector<16xf32> to vector<1x16xf32>
        tpu.vector_store %arg7[%swap3A_183, %swap3A_184], %swap3A_187 {strides = array<i32>} : memref<16x512xf32, #tpu.memory_space<vmem>>, vector<1x16xf32>,
        %get3A_188 = arith.index_cast %scan3A_115 : i32 to index
        %get3A_189 = arith.constant 64 : index
        %get3A_190 = tpu.vector_load %arg4[%get3A_188, %get3A_189] {strides = array<i32>} : memref<16x512xf32, #tpu.memory_space<vmem>>, vector<1x16xf32>,
        %get3A_191 = vector.shape_cast %get3A_190 : vector<1x16xf32> to vector<16xf32>
        %gt3A_192 = arith.constant 0.899999976 : f32
        %gt3A_193 = vector.broadcast %gt3A_192 : f32 to vector<16xf32>
        %gt3A_194 = arith.cmpf ogt, %get3A_191, %gt3A_193 : vector<16xf32>
        %get3A_195 = arith.index_cast %scan3A_115 : i32 to index
        %get3A_196 = arith.constant 64 : index
        %get3A_197 = tpu.vector_load %arg5[%get3A_195, %get3A_196] {strides = array<i32>} : memref<16x512xf32, #tpu.memory_space<vmem>>, vector<1x16xf32>,
        %get3A_198 = vector.shape_cast %get3A_197 : vector<1x16xf32> to vector<16xf32>
        %jit3A_199 = arith.constant 0.000000e+00 : f32
        %broadcast_in_dim3A_200 = vector.broadcast %jit3A_199 : f32 to vector<16xf32>
        %select_n3A_201 = arith.select %gt3A_194, %get3A_198, %broadcast_in_dim3A_200 : vector<16xi1>, vector<16xf32>
        %swap3A_202 = arith.index_cast %scan3A_115 : i32 to index
        %swap3A_203 = arith.constant 64 : index
        %swap3A_204 = tpu.vector_load %arg7[%swap3A_202, %swap3A_203] {strides = array<i32>} : memref<16x512xf32, #tpu.memory_space<vmem>>, vector<1x16xf32>,
        %swap3A_205 = vector.shape_cast %swap3A_204 : vector<1x16xf32> to vector<16xf32>
        %swap3A_206 = vector.shape_cast %select_n3A_201 : vector<16xf32> to vector<1x16xf32>
        tpu.vector_store %arg7[%swap3A_202, %swap3A_203], %swap3A_206 {strides = array<i32>} : memref<16x512xf32, #tpu.memory_space<vmem>>, vector<1x16xf32>,
        %get3A_207 = arith.index_cast %scan3A_115 : i32 to index
        %get3A_208 = arith.constant 80 : index
        %get3A_209 = tpu.vector_load %arg4[%get3A_207, %get3A_208] {strides = array<i32>} : memref<16x512xf32, #tpu.memory_space<vmem>>, vector<1x16xf32>,
        %get3A_210 = vector.shape_cast %get3A_209 : vector<1x16xf32> to vector<16xf32>
        %gt3A_211 = arith.constant 0.899999976 : f32
        %gt3A_212 = vector.broadcast %gt3A_211 : f32 to vector<16xf32>
        %gt3A_213 = arith.cmpf ogt, %get3A_210, %gt3A_212 : vector<16xf32>
        %get3A_214 = arith.index_cast %scan3A_115 : i32 to index
        %get3A_215 = arith.constant 80 : index
        %get3A_216 = tpu.vector_load %arg5[%get3A_214, %get3A_215] {strides = array<i32>} : memref<16x512xf32, #tpu.memory_space<vmem>>, vector<1x16xf32>,
        %get3A_217 = vector.shape_cast %get3A_216 : vector<1x16xf32> to vector<16xf32>
        %jit3A_218 = arith.constant 0.000000e+00 : f32
        %broadcast_in_dim3A_219 = vector.broadcast %jit3A_218 : f32 to vector<16xf32>
        %select_n3A_220 = arith.select %gt3A_213, %get3A_217, %broadcast_in_dim3A_219 : vector<16xi1>, vector<16xf32>
        %swap3A_221 = arith.index_cast %scan3A_115 : i32 to index
        %swap3A_222 = arith.constant 80 : index
        %swap3A_223 = tpu.vector_load %arg7[%swap3A_221, %swap3A_222] {strides = array<i32>} : memref<16x512xf32, #tpu.memory_space<vmem>>, vector<1x16xf32>,
        %swap3A_224 = vector.shape_cast %swap3A_223 : vector<1x16xf32> to vector<16xf32>
        %swap3A_225 = vector.shape_cast %select_n3A_220 : vector<16xf32> to vector<1x16xf32>
        tpu.vector_store %arg7[%swap3A_221, %swap3A_222], %swap3A_225 {strides = array<i32>} : memref<16x512xf32, #tpu.memory_space<vmem>>, vector<1x16xf32>,
        %get3A_226 = arith.index_cast %scan3A_115 : i32 to index
        %get3A_227 = arith.constant 96 : index
        %get3A_228 = tpu.vector_load %arg4[%get3A_226, %get3A_227] {strides = array<i32>} : memref<16x512xf32, #tpu.memory_space<vmem>>, vector<1x16xf32>,
        %get3A_229 = vector.shape_cast %get3A_228 : vector<1x16xf32> to vector<16xf32>
        %gt3A_230 = arith.constant 0.899999976 : f32
        %gt3A_231 = vector.broadcast %gt3A_230 : f32 to vector<16xf32>
        %gt3A_232 = arith.cmpf ogt, %get3A_229, %gt3A_231 : vector<16xf32>
        %get3A_233 = arith.index_cast %scan3A_115 : i32 to index
        %get3A_234 = arith.constant 96 : index
        %get3A_235 = tpu.vector_load %arg5[%get3A_233, %get3A_234] {strides = array<i32>} : memref<16x512xf32, #tpu.memory_space<vmem>>, vector<1x16xf32>,
        %get3A_236 = vector.shape_cast %get3A_235 : vector<1x16xf32> to vector<16xf32>
        %jit3A_237 = arith.constant 0.000000e+00 : f32
        %broadcast_in_dim3A_238 = vector.broadcast %jit3A_237 : f32 to vector<16xf32>
        %select_n3A_239 = arith.select %gt3A_232, %get3A_236, %broadcast_in_dim3A_238 : vector<16xi1>, vector<16xf32>
        %swap3A_240 = arith.index_cast %scan3A_115 : i32 to index
        %swap3A_241 = arith.constant 96 : index
        %swap3A_242 = tpu.vector_load %arg7[%swap3A_240, %swap3A_241] {strides = array<i32>} : memref<16x512xf32, #tpu.memory_space<vmem>>, vector<1x16xf32>,
        %swap3A_243 = vector.shape_cast %swap3A_242 : vector<1x16xf32> to vector<16xf32>
        %swap3A_244 = vector.shape_cast %select_n3A_239 : vector<16xf32> to vector<1x16xf32>
        tpu.vector_store %arg7[%swap3A_240, %swap3A_241], %swap3A_244 {strides = array<i32>} : memref<16x512xf32, #tpu.memory_space<vmem>>, vector<1x16xf32>,
        %get3A_245 = arith.index_cast %scan3A_115 : i32 to index
        %get3A_246 = arith.constant 112 : index
        %get3A_247 = tpu.vector_load %arg4[%get3A_245, %get3A_246] {strides = array<i32>} : memref<16x512xf32, #tpu.memory_space<vmem>>, vector<1x16xf32>,
        %get3A_248 = vector.shape_cast %get3A_247 : vector<1x16xf32> to vector<16xf32>
        %gt3A_249 = arith.constant 0.899999976 : f32
        %gt3A_250 = vector.broadcast %gt3A_249 : f32 to vector<16xf32>
        %gt3A_251 = arith.cmpf ogt, %get3A_248, %gt3A_250 : vector<16xf32>
        %get3A_252 = arith.index_cast %scan3A_115 : i32 to index
        %get3A_253 = arith.constant 112 : index
        %get3A_254 = tpu.vector_load %arg5[%get3A_252, %get3A_253] {strides = array<i32>} : memref<16x512xf32, #tpu.memory_space<vmem>>, vector<1x16xf32>,
        %get3A_255 = vector.shape_cast %get3A_254 : vector<1x16xf32> to vector<16xf32>
        %jit3A_256 = arith.constant 0.000000e+00 : f32
        %broadcast_in_dim3A_257 = vector.broadcast %jit3A_256 : f32 to vector<16xf32>
        %select_n3A_258 = arith.select %gt3A_251, %get3A_255, %broadcast_in_dim3A_257 : vector<16xi1>, vector<16xf32>
        %swap3A_259 = arith.index_cast %scan3A_115 : i32 to index
        %swap3A_260 = arith.constant 112 : index
        %swap3A_261 = tpu.vector_load %arg7[%swap3A_259, %swap3A_260] {strides = array<i32>} : memref<16x512xf32, #tpu.memory_space<vmem>>, vector<1x16xf32>,
        %swap3A_262 = vector.shape_cast %swap3A_261 : vector<1x16xf32> to vector<16xf32>
        %swap3A_263 = vector.shape_cast %select_n3A_258 : vector<16xf32> to vector<1x16xf32>
        tpu.vector_store %arg7[%swap3A_259, %swap3A_260], %swap3A_263 {strides = array<i32>} : memref<16x512xf32, #tpu.memory_space<vmem>>, vector<1x16xf32>,
        %get3A_264 = arith.index_cast %scan3A_115 : i32 to index
        %get3A_265 = arith.constant 128 : index
        %get3A_266 = tpu.vector_load %arg4[%get3A_264, %get3A_265] {strides = array<i32>} : memref<16x512xf32, #tpu.memory_space<vmem>>, vector<1x16xf32>,
        %get3A_267 = vector.shape_cast %get3A_266 : vector<1x16xf32> to vector<16xf32>
        %gt3A_268 = arith.constant 0.899999976 : f32
        %gt3A_269 = vector.broadcast %gt3A_268 : f32 to vector<16xf32>
        %gt3A_270 = arith.cmpf ogt, %get3A_267, %gt3A_269 : vector<16xf32>
        %get3A_271 = arith.index_cast %scan3A_115 : i32 to index
        %get3A_272 = arith.constant 128 : index
        %get3A_273 = tpu.vector_load %arg5[%get3A_271, %get3A_272] {strides = array<i32>} : memref<16x512xf32, #tpu.memory_space<vmem>>, vector<1x16xf32>,
        %get3A_274 = vector.shape_cast %get3A_273 : vector<1x16xf32> to vector<16xf32>
        %jit3A_275 = arith.constant 0.000000e+00 : f32
        %broadcast_in_dim3A_276 = vector.broadcast %jit3A_275 : f32 to vector<16xf32>
        %select_n3A_277 = arith.select %gt3A_270, %get3A_274, %broadcast_in_dim3A_276 : vector<16xi1>, vector<16xf32>
        %swap3A_278 = arith.index_cast %scan3A_115 : i32 to index
        %swap3A_279 = arith.constant 128 : index
        %swap3A_280 = tpu.vector_load %arg7[%swap3A_278, %swap3A_279] {strides = array<i32>} : memref<16x512xf32, #tpu.memory_space<vmem>>, vector<1x16xf32>,
        %swap3A_281 = vector.shape_cast %swap3A_280 : vector<1x16xf32> to vector<16xf32>
        %swap3A_282 = vector.shape_cast %select_n3A_277 : vector<16xf32> to vector<1x16xf32>
        tpu.vector_store %arg7[%swap3A_278, %swap3A_279], %swap3A_282 {strides = array<i32>} : memref<16x512xf32, #tpu.memory_space<vmem>>, vector<1x16xf32>,
        %get3A_283 = arith.index_cast %scan3A_115 : i32 to index
        %get3A_284 = arith.constant 144 : index
        %get3A_285 = tpu.vector_load %arg4[%get3A_283, %get3A_284] {strides = array<i32>} : memref<16x512xf32, #tpu.memory_space<vmem>>, vector<1x16xf32>,
        %get3A_286 = vector.shape_cast %get3A_285 : vector<1x16xf32> to vector<16xf32>
        %gt3A_287 = arith.constant 0.899999976 : f32
        %gt3A_288 = vector.broadcast %gt3A_287 : f32 to vector<16xf32>
        %gt3A_289 = arith.cmpf ogt, %get3A_286, %gt3A_288 : vector<16xf32>
        %get3A_290 = arith.index_cast %scan3A_115 : i32 to index
        %get3A_291 = arith.constant 144 : index
        %get3A_292 = tpu.vector_load %arg5[%get3A_290, %get3A_291] {strides = array<i32>} : memref<16x512xf32, #tpu.memory_space<vmem>>, vector<1x16xf32>,
        %get3A_293 = vector.shape_cast %get3A_292 : vector<1x16xf32> to vector<16xf32>
        %jit3A_294 = arith.constant 0.000000e+00 : f32
        %broadcast_in_dim3A_295 = vector.broadcast %jit3A_294 : f32 to vector<16xf32>
        %select_n3A_296 = arith.select %gt3A_289, %get3A_293, %broadcast_in_dim3A_295 : vector<16xi1>, vector<16xf32>
        %swap3A_297 = arith.index_cast %scan3A_115 : i32 to index
        %swap3A_298 = arith.constant 144 : index
        %swap3A_299 = tpu.vector_load %arg7[%swap3A_297, %swap3A_298] {strides = array<i32>} : memref<16x512xf32, #tpu.memory_space<vmem>>, vector<1x16xf32>,
        %swap3A_300 = vector.shape_cast %swap3A_299 : vector<1x16xf32> to vector<16xf32>
        %swap3A_301 = vector.shape_cast %select_n3A_296 : vector<16xf32> to vector<1x16xf32>
        tpu.vector_store %arg7[%swap3A_297, %swap3A_298], %swap3A_301 {strides = array<i32>} : memref<16x512xf32, #tpu.memory_space<vmem>>, vector<1x16xf32>,
        %get3A_302 = arith.index_cast %scan3A_115 : i32 to index
        %get3A_303 = arith.constant 160 : index
        %get3A_304 = tpu.vector_load %arg4[%get3A_302, %get3A_303] {strides = array<i32>} : memref<16x512xf32, #tpu.memory_space<vmem>>, vector<1x16xf32>,
        %get3A_305 = vector.shape_cast %get3A_304 : vector<1x16xf32> to vector<16xf32>
        %gt3A_306 = arith.constant 0.899999976 : f32
        %gt3A_307 = vector.broadcast %gt3A_306 : f32 to vector<16xf32>
        %gt3A_308 = arith.cmpf ogt, %get3A_305, %gt3A_307 : vector<16xf32>
        %get3A_309 = arith.index_cast %scan3A_115 : i32 to index
        %get3A_310 = arith.constant 160 : index
        %get3A_311 = tpu.vector_load %arg5[%get3A_309, %get3A_310] {strides = array<i32>} : memref<16x512xf32, #tpu.memory_space<vmem>>, vector<1x16xf32>,
        %get3A_312 = vector.shape_cast %get3A_311 : vector<1x16xf32> to vector<16xf32>
        %jit3A_313 = arith.constant 0.000000e+00 : f32
        %broadcast_in_dim3A_314 = vector.broadcast %jit3A_313 : f32 to vector<16xf32>
        %select_n3A_315 = arith.select %gt3A_308, %get3A_312, %broadcast_in_dim3A_314 : vector<16xi1>, vector<16xf32>
        %swap3A_316 = arith.index_cast %scan3A_115 : i32 to index
        %swap3A_317 = arith.constant 160 : index
        %swap3A_318 = tpu.vector_load %arg7[%swap3A_316, %swap3A_317] {strides = array<i32>} : memref<16x512xf32, #tpu.memory_space<vmem>>, vector<1x16xf32>,
        %swap3A_319 = vector.shape_cast %swap3A_318 : vector<1x16xf32> to vector<16xf32>
        %swap3A_320 = vector.shape_cast %select_n3A_315 : vector<16xf32> to vector<1x16xf32>
        tpu.vector_store %arg7[%swap3A_316, %swap3A_317], %swap3A_320 {strides = array<i32>} : memref<16x512xf32, #tpu.memory_space<vmem>>, vector<1x16xf32>,
        %get3A_321 = arith.index_cast %scan3A_115 : i32 to index
        %get3A_322 = arith.constant 176 : index
        %get3A_323 = tpu.vector_load %arg4[%get3A_321, %get3A_322] {strides = array<i32>} : memref<16x512xf32, #tpu.memory_space<vmem>>, vector<1x16xf32>,
        %get3A_324 = vector.shape_cast %get3A_323 : vector<1x16xf32> to vector<16xf32>
        %gt3A_325 = arith.constant 0.899999976 : f32
        %gt3A_326 = vector.broadcast %gt3A_325 : f32 to vector<16xf32>
        %gt3A_327 = arith.cmpf ogt, %get3A_324, %gt3A_326 : vector<16xf32>
        %get3A_328 = arith.index_cast %scan3A_115 : i32 to index
        %get3A_329 = arith.constant 176 : index
        %get3A_330 = tpu.vector_load %arg5[%get3A_328, %get3A_329] {strides = array<i32>} : memref<16x512xf32, #tpu.memory_space<vmem>>, vector<1x16xf32>,
        %get3A_331 = vector.shape_cast %get3A_330 : vector<1x16xf32> to vector<16xf32>
        %jit3A_332 = arith.constant 0.000000e+00 : f32
        %broadcast_in_dim3A_333 = vector.broadcast %jit3A_332 : f32 to vector<16xf32>
        %select_n3A_334 = arith.select %gt3A_327, %get3A_331, %broadcast_in_dim3A_333 : vector<16xi1>, vector<16xf32>
        %swap3A_335 = arith.index_cast %scan3A_115 : i32 to index
        %swap3A_336 = arith.constant 176 : index
        %swap3A_337 = tpu.vector_load %arg7[%swap3A_335, %swap3A_336] {strides = array<i32>} : memref<16x512xf32, #tpu.memory_space<vmem>>, vector<1x16xf32>,
        %swap3A_338 = vector.shape_cast %swap3A_337 : vector<1x16xf32> to vector<16xf32>
        %swap3A_339 = vector.shape_cast %select_n3A_334 : vector<16xf32> to vector<1x16xf32>
        tpu.vector_store %arg7[%swap3A_335, %swap3A_336], %swap3A_339 {strides = array<i32>} : memref<16x512xf32, #tpu.memory_space<vmem>>, vector<1x16xf32>,
        %get3A_340 = arith.index_cast %scan3A_115 : i32 to index
        %get3A_341 = arith.constant 192 : index
        %get3A_342 = tpu.vector_load %arg4[%get3A_340, %get3A_341] {strides = array<i32>} : memref<16x512xf32, #tpu.memory_space<vmem>>, vector<1x16xf32>,
        %get3A_343 = vector.shape_cast %get3A_342 : vector<1x16xf32> to vector<16xf32>
        %gt3A_344 = arith.constant 0.899999976 : f32
        %gt3A_345 = vector.broadcast %gt3A_344 : f32 to vector<16xf32>
        %gt3A_346 = arith.cmpf ogt, %get3A_343, %gt3A_345 : vector<16xf32>
        %get3A_347 = arith.index_cast %scan3A_115 : i32 to index
        %get3A_348 = arith.constant 192 : index
        %get3A_349 = tpu.vector_load %arg5[%get3A_347, %get3A_348] {strides = array<i32>} : memref<16x512xf32, #tpu.memory_space<vmem>>, vector<1x16xf32>,
        %get3A_350 = vector.shape_cast %get3A_349 : vector<1x16xf32> to vector<16xf32>
        %jit3A_351 = arith.constant 0.000000e+00 : f32
        %broadcast_in_dim3A_352 = vector.broadcast %jit3A_351 : f32 to vector<16xf32>
        %select_n3A_353 = arith.select %gt3A_346, %get3A_350, %broadcast_in_dim3A_352 : vector<16xi1>, vector<16xf32>
        %swap3A_354 = arith.index_cast %scan3A_115 : i32 to index
        %swap3A_355 = arith.constant 192 : index
        %swap3A_356 = tpu.vector_load %arg7[%swap3A_354, %swap3A_355] {strides = array<i32>} : memref<16x512xf32, #tpu.memory_space<vmem>>, vector<1x16xf32>,
        %swap3A_357 = vector.shape_cast %swap3A_356 : vector<1x16xf32> to vector<16xf32>
        %swap3A_358 = vector.shape_cast %select_n3A_353 : vector<16xf32> to vector<1x16xf32>
        tpu.vector_store %arg7[%swap3A_354, %swap3A_355], %swap3A_358 {strides = array<i32>} : memref<16x512xf32, #tpu.memory_space<vmem>>, vector<1x16xf32>,
        %get3A_359 = arith.index_cast %scan3A_115 : i32 to index
        %get3A_360 = arith.constant 208 : index
        %get3A_361 = tpu.vector_load %arg4[%get3A_359, %get3A_360] {strides = array<i32>} : memref<16x512xf32, #tpu.memory_space<vmem>>, vector<1x16xf32>,
        %get3A_362 = vector.shape_cast %get3A_361 : vector<1x16xf32> to vector<16xf32>
        %gt3A_363 = arith.constant 0.899999976 : f32
        %gt3A_364 = vector.broadcast %gt3A_363 : f32 to vector<16xf32>
        %gt3A_365 = arith.cmpf ogt, %get3A_362, %gt3A_364 : vector<16xf32>
        %get3A_366 = arith.index_cast %scan3A_115 : i32 to index
        %get3A_367 = arith.constant 208 : index
        %get3A_368 = tpu.vector_load %arg5[%get3A_366, %get3A_367] {strides = array<i32>} : memref<16x512xf32, #tpu.memory_space<vmem>>, vector<1x16xf32>,
        %get3A_369 = vector.shape_cast %get3A_368 : vector<1x16xf32> to vector<16xf32>
        %jit3A_370 = arith.constant 0.000000e+00 : f32
        %broadcast_in_dim3A_371 = vector.broadcast %jit3A_370 : f32 to vector<16xf32>
        %select_n3A_372 = arith.select %gt3A_365, %get3A_369, %broadcast_in_dim3A_371 : vector<16xi1>, vector<16xf32>
        %swap3A_373 = arith.index_cast %scan3A_115 : i32 to index
        %swap3A_374 = arith.constant 208 : index
        %swap3A_375 = tpu.vector_load %arg7[%swap3A_373, %swap3A_374] {strides = array<i32>} : memref<16x512xf32, #tpu.memory_space<vmem>>, vector<1x16xf32>,
        %swap3A_376 = vector.shape_cast %swap3A_375 : vector<1x16xf32> to vector<16xf32>
        %swap3A_377 = vector.shape_cast %select_n3A_372 : vector<16xf32> to vector<1x16xf32>
        tpu.vector_store %arg7[%swap3A_373, %swap3A_374], %swap3A_377 {strides = array<i32>} : memref<16x512xf32, #tpu.memory_space<vmem>>, vector<1x16xf32>,
        %get3A_378 = arith.index_cast %scan3A_115 : i32 to index
        %get3A_379 = arith.constant 224 : index
        %get3A_380 = tpu.vector_load %arg4[%get3A_378, %get3A_379] {strides = array<i32>} : memref<16x512xf32, #tpu.memory_space<vmem>>, vector<1x16xf32>,
        %get3A_381 = vector.shape_cast %get3A_380 : vector<1x16xf32> to vector<16xf32>
        %gt3A_382 = arith.constant 0.899999976 : f32
        %gt3A_383 = vector.broadcast %gt3A_382 : f32 to vector<16xf32>
        %gt3A_384 = arith.cmpf ogt, %get3A_381, %gt3A_383 : vector<16xf32>
        %get3A_385 = arith.index_cast %scan3A_115 : i32 to index
        %get3A_386 = arith.constant 224 : index
        %get3A_387 = tpu.vector_load %arg5[%get3A_385, %get3A_386] {strides = array<i32>} : memref<16x512xf32, #tpu.memory_space<vmem>>, vector<1x16xf32>,
        %get3A_388 = vector.shape_cast %get3A_387 : vector<1x16xf32> to vector<16xf32>
        %jit3A_389 = arith.constant 0.000000e+00 : f32
        %broadcast_in_dim3A_390 = vector.broadcast %jit3A_389 : f32 to vector<16xf32>
        %select_n3A_391 = arith.select %gt3A_384, %get3A_388, %broadcast_in_dim3A_390 : vector<16xi1>, vector<16xf32>
        %swap3A_392 = arith.index_cast %scan3A_115 : i32 to index
        %swap3A_393 = arith.constant 224 : index
        %swap3A_394 = tpu.vector_load %arg7[%swap3A_392, %swap3A_393] {strides = array<i32>} : memref<16x512xf32, #tpu.memory_space<vmem>>, vector<1x16xf32>,
        %swap3A_395 = vector.shape_cast %swap3A_394 : vector<1x16xf32> to vector<16xf32>
        %swap3A_396 = vector.shape_cast %select_n3A_391 : vector<16xf32> to vector<1x16xf32>
        tpu.vector_store %arg7[%swap3A_392, %swap3A_393], %swap3A_396 {strides = array<i32>} : memref<16x512xf32, #tpu.memory_space<vmem>>, vector<1x16xf32>,
        %get3A_397 = arith.index_cast %scan3A_115 : i32 to index
        %get3A_398 = arith.constant 240 : index
        %get3A_399 = tpu.vector_load %arg4[%get3A_397, %get3A_398] {strides = array<i32>} : memref<16x512xf32, #tpu.memory_space<vmem>>, vector<1x16xf32>,
        %get3A_400 = vector.shape_cast %get3A_399 : vector<1x16xf32> to vector<16xf32>
        %gt3A_401 = arith.constant 0.899999976 : f32
        %gt3A_402 = vector.broadcast %gt3A_401 : f32 to vector<16xf32>
        %gt3A_403 = arith.cmpf ogt, %get3A_400, %gt3A_402 : vector<16xf32>
        %get3A_404 = arith.index_cast %scan3A_115 : i32 to index
        %get3A_405 = arith.constant 240 : index
        %get3A_406 = tpu.vector_load %arg5[%get3A_404, %get3A_405] {strides = array<i32>} : memref<16x512xf32, #tpu.memory_space<vmem>>, vector<1x16xf32>,
        %get3A_407 = vector.shape_cast %get3A_406 : vector<1x16xf32> to vector<16xf32>
        %jit3A_408 = arith.constant 0.000000e+00 : f32
        %broadcast_in_dim3A_409 = vector.broadcast %jit3A_408 : f32 to vector<16xf32>
        %select_n3A_410 = arith.select %gt3A_403, %get3A_407, %broadcast_in_dim3A_409 : vector<16xi1>, vector<16xf32>
        %swap3A_411 = arith.index_cast %scan3A_115 : i32 to index
        %swap3A_412 = arith.constant 240 : index
        %swap3A_413 = tpu.vector_load %arg7[%swap3A_411, %swap3A_412] {strides = array<i32>} : memref<16x512xf32, #tpu.memory_space<vmem>>, vector<1x16xf32>,
        %swap3A_414 = vector.shape_cast %swap3A_413 : vector<1x16xf32> to vector<16xf32>
        %swap3A_415 = vector.shape_cast %select_n3A_410 : vector<16xf32> to vector<1x16xf32>
        tpu.vector_store %arg7[%swap3A_411, %swap3A_412], %swap3A_415 {strides = array<i32>} : memref<16x512xf32, #tpu.memory_space<vmem>>, vector<1x16xf32>,
        %get3A_416 = arith.index_cast %scan3A_115 : i32 to index
        %get3A_417 = arith.constant 256 : index
        %get3A_418 = tpu.vector_load %arg4[%get3A_416, %get3A_417] {strides = array<i32>} : memref<16x512xf32, #tpu.memory_space<vmem>>, vector<1x16xf32>,
        %get3A_419 = vector.shape_cast %get3A_418 : vector<1x16xf32> to vector<16xf32>
        %gt3A_420 = arith.constant 0.899999976 : f32
        %gt3A_421 = vector.broadcast %gt3A_420 : f32 to vector<16xf32>
        %gt3A_422 = arith.cmpf ogt, %get3A_419, %gt3A_421 : vector<16xf32>
        %get3A_423 = arith.index_cast %scan3A_115 : i32 to index
        %get3A_424 = arith.constant 256 : index
        %get3A_425 = tpu.vector_load %arg5[%get3A_423, %get3A_424] {strides = array<i32>} : memref<16x512xf32, #tpu.memory_space<vmem>>, vector<1x16xf32>,
        %get3A_426 = vector.shape_cast %get3A_425 : vector<1x16xf32> to vector<16xf32>
        %jit3A_427 = arith.constant 0.000000e+00 : f32
        %broadcast_in_dim3A_428 = vector.broadcast %jit3A_427 : f32 to vector<16xf32>
        %select_n3A_429 = arith.select %gt3A_422, %get3A_426, %broadcast_in_dim3A_428 : vector<16xi1>, vector<16xf32>
        %swap3A_430 = arith.index_cast %scan3A_115 : i32 to index
        %swap3A_431 = arith.constant 256 : index
        %swap3A_432 = tpu.vector_load %arg7[%swap3A_430, %swap3A_431] {strides = array<i32>} : memref<16x512xf32, #tpu.memory_space<vmem>>, vector<1x16xf32>,
        %swap3A_433 = vector.shape_cast %swap3A_432 : vector<1x16xf32> to vector<16xf32>
        %swap3A_434 = vector.shape_cast %select_n3A_429 : vector<16xf32> to vector<1x16xf32>
        tpu.vector_store %arg7[%swap3A_430, %swap3A_431], %swap3A_434 {strides = array<i32>} : memref<16x512xf32, #tpu.memory_space<vmem>>, vector<1x16xf32>,
        %get3A_435 = arith.index_cast %scan3A_115 : i32 to index
        %get3A_436 = arith.constant 272 : index
        %get3A_437 = tpu.vector_load %arg4[%get3A_435, %get3A_436] {strides = array<i32>} : memref<16x512xf32, #tpu.memory_space<vmem>>, vector<1x16xf32>,
        %get3A_438 = vector.shape_cast %get3A_437 : vector<1x16xf32> to vector<16xf32>
        %gt3A_439 = arith.constant 0.899999976 : f32
        %gt3A_440 = vector.broadcast %gt3A_439 : f32 to vector<16xf32>
        %gt3A_441 = arith.cmpf ogt, %get3A_438, %gt3A_440 : vector<16xf32>
        %get3A_442 = arith.index_cast %scan3A_115 : i32 to index
        %get3A_443 = arith.constant 272 : index
        %get3A_444 = tpu.vector_load %arg5[%get3A_442, %get3A_443] {strides = array<i32>} : memref<16x512xf32, #tpu.memory_space<vmem>>, vector<1x16xf32>,
        %get3A_445 = vector.shape_cast %get3A_444 : vector<1x16xf32> to vector<16xf32>
        %jit3A_446 = arith.constant 0.000000e+00 : f32
        %broadcast_in_dim3A_447 = vector.broadcast %jit3A_446 : f32 to vector<16xf32>
        %select_n3A_448 = arith.select %gt3A_441, %get3A_445, %broadcast_in_dim3A_447 : vector<16xi1>, vector<16xf32>
        %swap3A_449 = arith.index_cast %scan3A_115 : i32 to index
        %swap3A_450 = arith.constant 272 : index
        %swap3A_451 = tpu.vector_load %arg7[%swap3A_449, %swap3A_450] {strides = array<i32>} : memref<16x512xf32, #tpu.memory_space<vmem>>, vector<1x16xf32>,
        %swap3A_452 = vector.shape_cast %swap3A_451 : vector<1x16xf32> to vector<16xf32>
        %swap3A_453 = vector.shape_cast %select_n3A_448 : vector<16xf32> to vector<1x16xf32>
        tpu.vector_store %arg7[%swap3A_449, %swap3A_450], %swap3A_453 {strides = array<i32>} : memref<16x512xf32, #tpu.memory_space<vmem>>, vector<1x16xf32>,
        %get3A_454 = arith.index_cast %scan3A_115 : i32 to index
        %get3A_455 = arith.constant 288 : index
        %get3A_456 = tpu.vector_load %arg4[%get3A_454, %get3A_455] {strides = array<i32>} : memref<16x512xf32, #tpu.memory_space<vmem>>, vector<1x16xf32>,
        %get3A_457 = vector.shape_cast %get3A_456 : vector<1x16xf32> to vector<16xf32>
        %gt3A_458 = arith.constant 0.899999976 : f32
        %gt3A_459 = vector.broadcast %gt3A_458 : f32 to vector<16xf32>
        %gt3A_460 = arith.cmpf ogt, %get3A_457, %gt3A_459 : vector<16xf32>
        %get3A_461 = arith.index_cast %scan3A_115 : i32 to index
        %get3A_462 = arith.constant 288 : index
        %get3A_463 = tpu.vector_load %arg5[%get3A_461, %get3A_462] {strides = array<i32>} : memref<16x512xf32, #tpu.memory_space<vmem>>, vector<1x16xf32>,
        %get3A_464 = vector.shape_cast %get3A_463 : vector<1x16xf32> to vector<16xf32>
        %jit3A_465 = arith.constant 0.000000e+00 : f32
        %broadcast_in_dim3A_466 = vector.broadcast %jit3A_465 : f32 to vector<16xf32>
        %select_n3A_467 = arith.select %gt3A_460, %get3A_464, %broadcast_in_dim3A_466 : vector<16xi1>, vector<16xf32>
        %swap3A_468 = arith.index_cast %scan3A_115 : i32 to index
        %swap3A_469 = arith.constant 288 : index
        %swap3A_470 = tpu.vector_load %arg7[%swap3A_468, %swap3A_469] {strides = array<i32>} : memref<16x512xf32, #tpu.memory_space<vmem>>, vector<1x16xf32>,
        %swap3A_471 = vector.shape_cast %swap3A_470 : vector<1x16xf32> to vector<16xf32>
        %swap3A_472 = vector.shape_cast %select_n3A_467 : vector<16xf32> to vector<1x16xf32>
        tpu.vector_store %arg7[%swap3A_468, %swap3A_469], %swap3A_472 {strides = array<i32>} : memref<16x512xf32, #tpu.memory_space<vmem>>, vector<1x16xf32>,
        %get3A_473 = arith.index_cast %scan3A_115 : i32 to index
        %get3A_474 = arith.constant 304 : index
        %get3A_475 = tpu.vector_load %arg4[%get3A_473, %get3A_474] {strides = array<i32>} : memref<16x512xf32, #tpu.memory_space<vmem>>, vector<1x16xf32>,
        %get3A_476 = vector.shape_cast %get3A_475 : vector<1x16xf32> to vector<16xf32>
        %gt3A_477 = arith.constant 0.899999976 : f32
        %gt3A_478 = vector.broadcast %gt3A_477 : f32 to vector<16xf32>
        %gt3A_479 = arith.cmpf ogt, %get3A_476, %gt3A_478 : vector<16xf32>
        %get3A_480 = arith.index_cast %scan3A_115 : i32 to index
        %get3A_481 = arith.constant 304 : index
        %get3A_482 = tpu.vector_load %arg5[%get3A_480, %get3A_481] {strides = array<i32>} : memref<16x512xf32, #tpu.memory_space<vmem>>, vector<1x16xf32>,
        %get3A_483 = vector.shape_cast %get3A_482 : vector<1x16xf32> to vector<16xf32>
        %jit3A_484 = arith.constant 0.000000e+00 : f32
        %broadcast_in_dim3A_485 = vector.broadcast %jit3A_484 : f32 to vector<16xf32>
        %select_n3A_486 = arith.select %gt3A_479, %get3A_483, %broadcast_in_dim3A_485 : vector<16xi1>, vector<16xf32>
        %swap3A_487 = arith.index_cast %scan3A_115 : i32 to index
        %swap3A_488 = arith.constant 304 : index
        %swap3A_489 = tpu.vector_load %arg7[%swap3A_487, %swap3A_488] {strides = array<i32>} : memref<16x512xf32, #tpu.memory_space<vmem>>, vector<1x16xf32>,
        %swap3A_490 = vector.shape_cast %swap3A_489 : vector<1x16xf32> to vector<16xf32>
        %swap3A_491 = vector.shape_cast %select_n3A_486 : vector<16xf32> to vector<1x16xf32>
        tpu.vector_store %arg7[%swap3A_487, %swap3A_488], %swap3A_491 {strides = array<i32>} : memref<16x512xf32, #tpu.memory_space<vmem>>, vector<1x16xf32>,
        %get3A_492 = arith.index_cast %scan3A_115 : i32 to index
        %get3A_493 = arith.constant 320 : index
        %get3A_494 = tpu.vector_load %arg4[%get3A_492, %get3A_493] {strides = array<i32>} : memref<16x512xf32, #tpu.memory_space<vmem>>, vector<1x16xf32>,
        %get3A_495 = vector.shape_cast %get3A_494 : vector<1x16xf32> to vector<16xf32>
        %gt3A_496 = arith.constant 0.899999976 : f32
        %gt3A_497 = vector.broadcast %gt3A_496 : f32 to vector<16xf32>
        %gt3A_498 = arith.cmpf ogt, %get3A_495, %gt3A_497 : vector<16xf32>
        %get3A_499 = arith.index_cast %scan3A_115 : i32 to index
        %get3A_500 = arith.constant 320 : index
        %get3A_501 = tpu.vector_load %arg5[%get3A_499, %get3A_500] {strides = array<i32>} : memref<16x512xf32, #tpu.memory_space<vmem>>, vector<1x16xf32>,
        %get3A_502 = vector.shape_cast %get3A_501 : vector<1x16xf32> to vector<16xf32>
        %jit3A_503 = arith.constant 0.000000e+00 : f32
        %broadcast_in_dim3A_504 = vector.broadcast %jit3A_503 : f32 to vector<16xf32>
        %select_n3A_505 = arith.select %gt3A_498, %get3A_502, %broadcast_in_dim3A_504 : vector<16xi1>, vector<16xf32>
        %swap3A_506 = arith.index_cast %scan3A_115 : i32 to index
        %swap3A_507 = arith.constant 320 : index
        %swap3A_508 = tpu.vector_load %arg7[%swap3A_506, %swap3A_507] {strides = array<i32>} : memref<16x512xf32, #tpu.memory_space<vmem>>, vector<1x16xf32>,
        %swap3A_509 = vector.shape_cast %swap3A_508 : vector<1x16xf32> to vector<16xf32>
        %swap3A_510 = vector.shape_cast %select_n3A_505 : vector<16xf32> to vector<1x16xf32>
        tpu.vector_store %arg7[%swap3A_506, %swap3A_507], %swap3A_510 {strides = array<i32>} : memref<16x512xf32, #tpu.memory_space<vmem>>, vector<1x16xf32>,
        %get3A_511 = arith.index_cast %scan3A_115 : i32 to index
        %get3A_512 = arith.constant 336 : index
        %get3A_513 = tpu.vector_load %arg4[%get3A_511, %get3A_512] {strides = array<i32>} : memref<16x512xf32, #tpu.memory_space<vmem>>, vector<1x16xf32>,
        %get3A_514 = vector.shape_cast %get3A_513 : vector<1x16xf32> to vector<16xf32>
        %gt3A_515 = arith.constant 0.899999976 : f32
        %gt3A_516 = vector.broadcast %gt3A_515 : f32 to vector<16xf32>
        %gt3A_517 = arith.cmpf ogt, %get3A_514, %gt3A_516 : vector<16xf32>
        %get3A_518 = arith.index_cast %scan3A_115 : i32 to index
        %get3A_519 = arith.constant 336 : index
        %get3A_520 = tpu.vector_load %arg5[%get3A_518, %get3A_519] {strides = array<i32>} : memref<16x512xf32, #tpu.memory_space<vmem>>, vector<1x16xf32>,
        %get3A_521 = vector.shape_cast %get3A_520 : vector<1x16xf32> to vector<16xf32>
        %jit3A_522 = arith.constant 0.000000e+00 : f32
        %broadcast_in_dim3A_523 = vector.broadcast %jit3A_522 : f32 to vector<16xf32>
        %select_n3A_524 = arith.select %gt3A_517, %get3A_521, %broadcast_in_dim3A_523 : vector<16xi1>, vector<16xf32>
        %swap3A_525 = arith.index_cast %scan3A_115 : i32 to index
        %swap3A_526 = arith.constant 336 : index
        %swap3A_527 = tpu.vector_load %arg7[%swap3A_525, %swap3A_526] {strides = array<i32>} : memref<16x512xf32, #tpu.memory_space<vmem>>, vector<1x16xf32>,
        %swap3A_528 = vector.shape_cast %swap3A_527 : vector<1x16xf32> to vector<16xf32>
        %swap3A_529 = vector.shape_cast %select_n3A_524 : vector<16xf32> to vector<1x16xf32>
        tpu.vector_store %arg7[%swap3A_525, %swap3A_526], %swap3A_529 {strides = array<i32>} : memref<16x512xf32, #tpu.memory_space<vmem>>, vector<1x16xf32>,
        %get3A_530 = arith.index_cast %scan3A_115 : i32 to index
        %get3A_531 = arith.constant 352 : index
        %get3A_532 = tpu.vector_load %arg4[%get3A_530, %get3A_531] {strides = array<i32>} : memref<16x512xf32, #tpu.memory_space<vmem>>, vector<1x16xf32>,
        %get3A_533 = vector.shape_cast %get3A_532 : vector<1x16xf32> to vector<16xf32>
        %gt3A_534 = arith.constant 0.899999976 : f32
        %gt3A_535 = vector.broadcast %gt3A_534 : f32 to vector<16xf32>
        %gt3A_536 = arith.cmpf ogt, %get3A_533, %gt3A_535 : vector<16xf32>
        %get3A_537 = arith.index_cast %scan3A_115 : i32 to index
        %get3A_538 = arith.constant 352 : index
        %get3A_539 = tpu.vector_load %arg5[%get3A_537, %get3A_538] {strides = array<i32>} : memref<16x512xf32, #tpu.memory_space<vmem>>, vector<1x16xf32>,
        %get3A_540 = vector.shape_cast %get3A_539 : vector<1x16xf32> to vector<16xf32>
        %jit3A_541 = arith.constant 0.000000e+00 : f32
        %broadcast_in_dim3A_542 = vector.broadcast %jit3A_541 : f32 to vector<16xf32>
        %select_n3A_543 = arith.select %gt3A_536, %get3A_540, %broadcast_in_dim3A_542 : vector<16xi1>, vector<16xf32>
        %swap3A_544 = arith.index_cast %scan3A_115 : i32 to index
        %swap3A_545 = arith.constant 352 : index
        %swap3A_546 = tpu.vector_load %arg7[%swap3A_544, %swap3A_545] {strides = array<i32>} : memref<16x512xf32, #tpu.memory_space<vmem>>, vector<1x16xf32>,
        %swap3A_547 = vector.shape_cast %swap3A_546 : vector<1x16xf32> to vector<16xf32>
        %swap3A_548 = vector.shape_cast %select_n3A_543 : vector<16xf32> to vector<1x16xf32>
        tpu.vector_store %arg7[%swap3A_544, %swap3A_545], %swap3A_548 {strides = array<i32>} : memref<16x512xf32, #tpu.memory_space<vmem>>, vector<1x16xf32>,
        %get3A_549 = arith.index_cast %scan3A_115 : i32 to index
        %get3A_550 = arith.constant 368 : index
        %get3A_551 = tpu.vector_load %arg4[%get3A_549, %get3A_550] {strides = array<i32>} : memref<16x512xf32, #tpu.memory_space<vmem>>, vector<1x16xf32>,
        %get3A_552 = vector.shape_cast %get3A_551 : vector<1x16xf32> to vector<16xf32>
        %gt3A_553 = arith.constant 0.899999976 : f32
        %gt3A_554 = vector.broadcast %gt3A_553 : f32 to vector<16xf32>
        %gt3A_555 = arith.cmpf ogt, %get3A_552, %gt3A_554 : vector<16xf32>
        %get3A_556 = arith.index_cast %scan3A_115 : i32 to index
        %get3A_557 = arith.constant 368 : index
        %get3A_558 = tpu.vector_load %arg5[%get3A_556, %get3A_557] {strides = array<i32>} : memref<16x512xf32, #tpu.memory_space<vmem>>, vector<1x16xf32>,
        %get3A_559 = vector.shape_cast %get3A_558 : vector<1x16xf32> to vector<16xf32>
        %jit3A_560 = arith.constant 0.000000e+00 : f32
        %broadcast_in_dim3A_561 = vector.broadcast %jit3A_560 : f32 to vector<16xf32>
        %select_n3A_562 = arith.select %gt3A_555, %get3A_559, %broadcast_in_dim3A_561 : vector<16xi1>, vector<16xf32>
        %swap3A_563 = arith.index_cast %scan3A_115 : i32 to index
        %swap3A_564 = arith.constant 368 : index
        %swap3A_565 = tpu.vector_load %arg7[%swap3A_563, %swap3A_564] {strides = array<i32>} : memref<16x512xf32, #tpu.memory_space<vmem>>, vector<1x16xf32>,
        %swap3A_566 = vector.shape_cast %swap3A_565 : vector<1x16xf32> to vector<16xf32>
        %swap3A_567 = vector.shape_cast %select_n3A_562 : vector<16xf32> to vector<1x16xf32>
        tpu.vector_store %arg7[%swap3A_563, %swap3A_564], %swap3A_567 {strides = array<i32>} : memref<16x512xf32, #tpu.memory_space<vmem>>, vector<1x16xf32>,
        %get3A_568 = arith.index_cast %scan3A_115 : i32 to index
        %get3A_569 = arith.constant 384 : index
        %get3A_570 = tpu.vector_load %arg4[%get3A_568, %get3A_569] {strides = array<i32>} : memref<16x512xf32, #tpu.memory_space<vmem>>, vector<1x16xf32>,
        %get3A_571 = vector.shape_cast %get3A_570 : vector<1x16xf32> to vector<16xf32>
        %gt3A_572 = arith.constant 0.899999976 : f32
        %gt3A_573 = vector.broadcast %gt3A_572 : f32 to vector<16xf32>
        %gt3A_574 = arith.cmpf ogt, %get3A_571, %gt3A_573 : vector<16xf32>
        %get3A_575 = arith.index_cast %scan3A_115 : i32 to index
        %get3A_576 = arith.constant 384 : index
        %get3A_577 = tpu.vector_load %arg5[%get3A_575, %get3A_576] {strides = array<i32>} : memref<16x512xf32, #tpu.memory_space<vmem>>, vector<1x16xf32>,
        %get3A_578 = vector.shape_cast %get3A_577 : vector<1x16xf32> to vector<16xf32>
        %jit3A_579 = arith.constant 0.000000e+00 : f32
        %broadcast_in_dim3A_580 = vector.broadcast %jit3A_579 : f32 to vector<16xf32>
        %select_n3A_581 = arith.select %gt3A_574, %get3A_578, %broadcast_in_dim3A_580 : vector<16xi1>, vector<16xf32>
        %swap3A_582 = arith.index_cast %scan3A_115 : i32 to index
        %swap3A_583 = arith.constant 384 : index
        %swap3A_584 = tpu.vector_load %arg7[%swap3A_582, %swap3A_583] {strides = array<i32>} : memref<16x512xf32, #tpu.memory_space<vmem>>, vector<1x16xf32>,
        %swap3A_585 = vector.shape_cast %swap3A_584 : vector<1x16xf32> to vector<16xf32>
        %swap3A_586 = vector.shape_cast %select_n3A_581 : vector<16xf32> to vector<1x16xf32>
        tpu.vector_store %arg7[%swap3A_582, %swap3A_583], %swap3A_586 {strides = array<i32>} : memref<16x512xf32, #tpu.memory_space<vmem>>, vector<1x16xf32>,
        %get3A_587 = arith.index_cast %scan3A_115 : i32 to index
        %get3A_588 = arith.constant 400 : index
        %get3A_589 = tpu.vector_load %arg4[%get3A_587, %get3A_588] {strides = array<i32>} : memref<16x512xf32, #tpu.memory_space<vmem>>, vector<1x16xf32>,
        %get3A_590 = vector.shape_cast %get3A_589 : vector<1x16xf32> to vector<16xf32>
        %gt3A_591 = arith.constant 0.899999976 : f32
        %gt3A_592 = vector.broadcast %gt3A_591 : f32 to vector<16xf32>
        %gt3A_593 = arith.cmpf ogt, %get3A_590, %gt3A_592 : vector<16xf32>
        %get3A_594 = arith.index_cast %scan3A_115 : i32 to index
        %get3A_595 = arith.constant 400 : index
        %get3A_596 = tpu.vector_load %arg5[%get3A_594, %get3A_595] {strides = array<i32>} : memref<16x512xf32, #tpu.memory_space<vmem>>, vector<1x16xf32>,
        %get3A_597 = vector.shape_cast %get3A_596 : vector<1x16xf32> to vector<16xf32>
        %jit3A_598 = arith.constant 0.000000e+00 : f32
        %broadcast_in_dim3A_599 = vector.broadcast %jit3A_598 : f32 to vector<16xf32>
        %select_n3A_600 = arith.select %gt3A_593, %get3A_597, %broadcast_in_dim3A_599 : vector<16xi1>, vector<16xf32>
        %swap3A_601 = arith.index_cast %scan3A_115 : i32 to index
        %swap3A_602 = arith.constant 400 : index
        %swap3A_603 = tpu.vector_load %arg7[%swap3A_601, %swap3A_602] {strides = array<i32>} : memref<16x512xf32, #tpu.memory_space<vmem>>, vector<1x16xf32>,
        %swap3A_604 = vector.shape_cast %swap3A_603 : vector<1x16xf32> to vector<16xf32>
        %swap3A_605 = vector.shape_cast %select_n3A_600 : vector<16xf32> to vector<1x16xf32>
        tpu.vector_store %arg7[%swap3A_601, %swap3A_602], %swap3A_605 {strides = array<i32>} : memref<16x512xf32, #tpu.memory_space<vmem>>, vector<1x16xf32>,
        %get3A_606 = arith.index_cast %scan3A_115 : i32 to index
        %get3A_607 = arith.constant 416 : index
        %get3A_608 = tpu.vector_load %arg4[%get3A_606, %get3A_607] {strides = array<i32>} : memref<16x512xf32, #tpu.memory_space<vmem>>, vector<1x16xf32>,
        %get3A_609 = vector.shape_cast %get3A_608 : vector<1x16xf32> to vector<16xf32>
        %gt3A_610 = arith.constant 0.899999976 : f32
        %gt3A_611 = vector.broadcast %gt3A_610 : f32 to vector<16xf32>
        %gt3A_612 = arith.cmpf ogt, %get3A_609, %gt3A_611 : vector<16xf32>
        %get3A_613 = arith.index_cast %scan3A_115 : i32 to index
        %get3A_614 = arith.constant 416 : index
        %get3A_615 = tpu.vector_load %arg5[%get3A_613, %get3A_614] {strides = array<i32>} : memref<16x512xf32, #tpu.memory_space<vmem>>, vector<1x16xf32>,
        %get3A_616 = vector.shape_cast %get3A_615 : vector<1x16xf32> to vector<16xf32>
        %jit3A_617 = arith.constant 0.000000e+00 : f32
        %broadcast_in_dim3A_618 = vector.broadcast %jit3A_617 : f32 to vector<16xf32>
        %select_n3A_619 = arith.select %gt3A_612, %get3A_616, %broadcast_in_dim3A_618 : vector<16xi1>, vector<16xf32>
        %swap3A_620 = arith.index_cast %scan3A_115 : i32 to index
        %swap3A_621 = arith.constant 416 : index
        %swap3A_622 = tpu.vector_load %arg7[%swap3A_620, %swap3A_621] {strides = array<i32>} : memref<16x512xf32, #tpu.memory_space<vmem>>, vector<1x16xf32>,
        %swap3A_623 = vector.shape_cast %swap3A_622 : vector<1x16xf32> to vector<16xf32>
        %swap3A_624 = vector.shape_cast %select_n3A_619 : vector<16xf32> to vector<1x16xf32>
        tpu.vector_store %arg7[%swap3A_620, %swap3A_621], %swap3A_624 {strides = array<i32>} : memref<16x512xf32, #tpu.memory_space<vmem>>, vector<1x16xf32>,
        %get3A_625 = arith.index_cast %scan3A_115 : i32 to index
        %get3A_626 = arith.constant 432 : index
        %get3A_627 = tpu.vector_load %arg4[%get3A_625, %get3A_626] {strides = array<i32>} : memref<16x512xf32, #tpu.memory_space<vmem>>, vector<1x16xf32>,
        %get3A_628 = vector.shape_cast %get3A_627 : vector<1x16xf32> to vector<16xf32>
        %gt3A_629 = arith.constant 0.899999976 : f32
        %gt3A_630 = vector.broadcast %gt3A_629 : f32 to vector<16xf32>
        %gt3A_631 = arith.cmpf ogt, %get3A_628, %gt3A_630 : vector<16xf32>
        %get3A_632 = arith.index_cast %scan3A_115 : i32 to index
        %get3A_633 = arith.constant 432 : index
        %get3A_634 = tpu.vector_load %arg5[%get3A_632, %get3A_633] {strides = array<i32>} : memref<16x512xf32, #tpu.memory_space<vmem>>, vector<1x16xf32>,
        %get3A_635 = vector.shape_cast %get3A_634 : vector<1x16xf32> to vector<16xf32>
        %jit3A_636 = arith.constant 0.000000e+00 : f32
        %broadcast_in_dim3A_637 = vector.broadcast %jit3A_636 : f32 to vector<16xf32>
        %select_n3A_638 = arith.select %gt3A_631, %get3A_635, %broadcast_in_dim3A_637 : vector<16xi1>, vector<16xf32>
        %swap3A_639 = arith.index_cast %scan3A_115 : i32 to index
        %swap3A_640 = arith.constant 432 : index
        %swap3A_641 = tpu.vector_load %arg7[%swap3A_639, %swap3A_640] {strides = array<i32>} : memref<16x512xf32, #tpu.memory_space<vmem>>, vector<1x16xf32>,
        %swap3A_642 = vector.shape_cast %swap3A_641 : vector<1x16xf32> to vector<16xf32>
        %swap3A_643 = vector.shape_cast %select_n3A_638 : vector<16xf32> to vector<1x16xf32>
        tpu.vector_store %arg7[%swap3A_639, %swap3A_640], %swap3A_643 {strides = array<i32>} : memref<16x512xf32, #tpu.memory_space<vmem>>, vector<1x16xf32>,
        %get3A_644 = arith.index_cast %scan3A_115 : i32 to index
        %get3A_645 = arith.constant 448 : index
        %get3A_646 = tpu.vector_load %arg4[%get3A_644, %get3A_645] {strides = array<i32>} : memref<16x512xf32, #tpu.memory_space<vmem>>, vector<1x16xf32>,
        %get3A_647 = vector.shape_cast %get3A_646 : vector<1x16xf32> to vector<16xf32>
        %gt3A_648 = arith.constant 0.899999976 : f32
        %gt3A_649 = vector.broadcast %gt3A_648 : f32 to vector<16xf32>
        %gt3A_650 = arith.cmpf ogt, %get3A_647, %gt3A_649 : vector<16xf32>
        %get3A_651 = arith.index_cast %scan3A_115 : i32 to index
        %get3A_652 = arith.constant 448 : index
        %get3A_653 = tpu.vector_load %arg5[%get3A_651, %get3A_652] {strides = array<i32>} : memref<16x512xf32, #tpu.memory_space<vmem>>, vector<1x16xf32>,
        %get3A_654 = vector.shape_cast %get3A_653 : vector<1x16xf32> to vector<16xf32>
        %jit3A_655 = arith.constant 0.000000e+00 : f32
        %broadcast_in_dim3A_656 = vector.broadcast %jit3A_655 : f32 to vector<16xf32>
        %select_n3A_657 = arith.select %gt3A_650, %get3A_654, %broadcast_in_dim3A_656 : vector<16xi1>, vector<16xf32>
        %swap3A_658 = arith.index_cast %scan3A_115 : i32 to index
        %swap3A_659 = arith.constant 448 : index
        %swap3A_660 = tpu.vector_load %arg7[%swap3A_658, %swap3A_659] {strides = array<i32>} : memref<16x512xf32, #tpu.memory_space<vmem>>, vector<1x16xf32>,
        %swap3A_661 = vector.shape_cast %swap3A_660 : vector<1x16xf32> to vector<16xf32>
        %swap3A_662 = vector.shape_cast %select_n3A_657 : vector<16xf32> to vector<1x16xf32>
        tpu.vector_store %arg7[%swap3A_658, %swap3A_659], %swap3A_662 {strides = array<i32>} : memref<16x512xf32, #tpu.memory_space<vmem>>, vector<1x16xf32>,
        %get3A_663 = arith.index_cast %scan3A_115 : i32 to index
        %get3A_664 = arith.constant 464 : index
        %get3A_665 = tpu.vector_load %arg4[%get3A_663, %get3A_664] {strides = array<i32>} : memref<16x512xf32, #tpu.memory_space<vmem>>, vector<1x16xf32>,
        %get3A_666 = vector.shape_cast %get3A_665 : vector<1x16xf32> to vector<16xf32>
        %gt3A_667 = arith.constant 0.899999976 : f32
        %gt3A_668 = vector.broadcast %gt3A_667 : f32 to vector<16xf32>
        %gt3A_669 = arith.cmpf ogt, %get3A_666, %gt3A_668 : vector<16xf32>
        %get3A_670 = arith.index_cast %scan3A_115 : i32 to index
        %get3A_671 = arith.constant 464 : index
        %get3A_672 = tpu.vector_load %arg5[%get3A_670, %get3A_671] {strides = array<i32>} : memref<16x512xf32, #tpu.memory_space<vmem>>, vector<1x16xf32>,
        %get3A_673 = vector.shape_cast %get3A_672 : vector<1x16xf32> to vector<16xf32>
        %jit3A_674 = arith.constant 0.000000e+00 : f32
        %broadcast_in_dim3A_675 = vector.broadcast %jit3A_674 : f32 to vector<16xf32>
        %select_n3A_676 = arith.select %gt3A_669, %get3A_673, %broadcast_in_dim3A_675 : vector<16xi1>, vector<16xf32>
        %swap3A_677 = arith.index_cast %scan3A_115 : i32 to index
        %swap3A_678 = arith.constant 464 : index
        %swap3A_679 = tpu.vector_load %arg7[%swap3A_677, %swap3A_678] {strides = array<i32>} : memref<16x512xf32, #tpu.memory_space<vmem>>, vector<1x16xf32>,
        %swap3A_680 = vector.shape_cast %swap3A_679 : vector<1x16xf32> to vector<16xf32>
        %swap3A_681 = vector.shape_cast %select_n3A_676 : vector<16xf32> to vector<1x16xf32>
        tpu.vector_store %arg7[%swap3A_677, %swap3A_678], %swap3A_681 {strides = array<i32>} : memref<16x512xf32, #tpu.memory_space<vmem>>, vector<1x16xf32>,
        %get3A_682 = arith.index_cast %scan3A_115 : i32 to index
        %get3A_683 = arith.constant 480 : index
        %get3A_684 = tpu.vector_load %arg4[%get3A_682, %get3A_683] {strides = array<i32>} : memref<16x512xf32, #tpu.memory_space<vmem>>, vector<1x16xf32>,
        %get3A_685 = vector.shape_cast %get3A_684 : vector<1x16xf32> to vector<16xf32>
        %gt3A_686 = arith.constant 0.899999976 : f32
        %gt3A_687 = vector.broadcast %gt3A_686 : f32 to vector<16xf32>
        %gt3A_688 = arith.cmpf ogt, %get3A_685, %gt3A_687 : vector<16xf32>
        %get3A_689 = arith.index_cast %scan3A_115 : i32 to index
        %get3A_690 = arith.constant 480 : index
        %get3A_691 = tpu.vector_load %arg5[%get3A_689, %get3A_690] {strides = array<i32>} : memref<16x512xf32, #tpu.memory_space<vmem>>, vector<1x16xf32>,
        %get3A_692 = vector.shape_cast %get3A_691 : vector<1x16xf32> to vector<16xf32>
        %jit3A_693 = arith.constant 0.000000e+00 : f32
        %broadcast_in_dim3A_694 = vector.broadcast %jit3A_693 : f32 to vector<16xf32>
        %select_n3A_695 = arith.select %gt3A_688, %get3A_692, %broadcast_in_dim3A_694 : vector<16xi1>, vector<16xf32>
        %swap3A_696 = arith.index_cast %scan3A_115 : i32 to index
        %swap3A_697 = arith.constant 480 : index
        %swap3A_698 = tpu.vector_load %arg7[%swap3A_696, %swap3A_697] {strides = array<i32>} : memref<16x512xf32, #tpu.memory_space<vmem>>, vector<1x16xf32>,
        %swap3A_699 = vector.shape_cast %swap3A_698 : vector<1x16xf32> to vector<16xf32>
        %swap3A_700 = vector.shape_cast %select_n3A_695 : vector<16xf32> to vector<1x16xf32>
        tpu.vector_store %arg7[%swap3A_696, %swap3A_697], %swap3A_700 {strides = array<i32>} : memref<16x512xf32, #tpu.memory_space<vmem>>, vector<1x16xf32>,
        %get3A_701 = arith.index_cast %scan3A_115 : i32 to index
        %get3A_702 = arith.constant 496 : index
        %get3A_703 = tpu.vector_load %arg4[%get3A_701, %get3A_702] {strides = array<i32>} : memref<16x512xf32, #tpu.memory_space<vmem>>, vector<1x16xf32>,
        %get3A_704 = vector.shape_cast %get3A_703 : vector<1x16xf32> to vector<16xf32>
        %gt3A_705 = arith.constant 0.899999976 : f32
        %gt3A_706 = vector.broadcast %gt3A_705 : f32 to vector<16xf32>
        %gt3A_707 = arith.cmpf ogt, %get3A_704, %gt3A_706 : vector<16xf32>
        %get3A_708 = arith.index_cast %scan3A_115 : i32 to index
        %get3A_709 = arith.constant 496 : index
        %get3A_710 = tpu.vector_load %arg5[%get3A_708, %get3A_709] {strides = array<i32>} : memref<16x512xf32, #tpu.memory_space<vmem>>, vector<1x16xf32>,
        %get3A_711 = vector.shape_cast %get3A_710 : vector<1x16xf32> to vector<16xf32>
        %jit3A_712 = arith.constant 0.000000e+00 : f32
        %broadcast_in_dim3A_713 = vector.broadcast %jit3A_712 : f32 to vector<16xf32>
        %select_n3A_714 = arith.select %gt3A_707, %get3A_711, %broadcast_in_dim3A_713 : vector<16xi1>, vector<16xf32>
        %swap3A_715 = arith.index_cast %scan3A_115 : i32 to index
        %swap3A_716 = arith.constant 496 : index
        %swap3A_717 = tpu.vector_load %arg7[%swap3A_715, %swap3A_716] {strides = array<i32>} : memref<16x512xf32, #tpu.memory_space<vmem>>, vector<1x16xf32>,
        %swap3A_718 = vector.shape_cast %swap3A_717 : vector<1x16xf32> to vector<16xf32>
        %swap3A_719 = vector.shape_cast %select_n3A_714 : vector<16xf32> to vector<1x16xf32>
        tpu.vector_store %arg7[%swap3A_715, %swap3A_716], %swap3A_719 {strides = array<i32>} : memref<16x512xf32, #tpu.memory_space<vmem>>, vector<1x16xf32>,
        %scan3A_720 = arith.constant 0 : i32
        scf.yield %scan3A_720 : i32
      }
      %scan3A_70 = arith.constant 16 : i32
      %sub3A = arith.constant 0 : i32
      %sub3A_71 = arith.subi %add3A_47, %sub3A : i32
      %dma_start3A_72 = arith.constant 0 : i32
      %dma_start3A_73 = tpu.memref_slice %arg3[%sub3A_71, %mul3A_2, %dma_start3A_72] : memref<28x512x512xf32, #tpu.memory_space<hbm>> -> memref<1x16x512xf32, #tpu.memory_space<hbm>>
      %dma_start3A_74 = tpu.memref_squeeze %dma_start3A_73 : memref<1x16x512xf32, #tpu.memory_space<hbm>> -> memref<16x512xf32, #tpu.memory_space<hbm>>
      %dma_start3A_75 = arith.constant 0 : i32
      %dma_start3A_76 = tpu.memref_slice %arg3[%sub3A_71, %mul3A_2, %dma_start3A_75] : memref<28x512x512xf32, #tpu.memory_space<hbm>> -> memref<1x16x512xf32, #tpu.memory_space<hbm>>
      %dma_start3A_77 = tpu.memref_squeeze %dma_start3A_76 : memref<1x16x512xf32, #tpu.memory_space<hbm>> -> memref<16x512xf32, #tpu.memory_space<hbm>>
      tpu.enqueue_dma source(%arg7 : memref<16x512xf32, #tpu.memory_space<vmem>>) target(%dma_start3A_77 : memref<16x512xf32, #tpu.memory_space<hbm>>) target_semaphore(%arg12 : memref<!tpu.dma_semaphore, #tpu.memory_space<semaphore_mem>>)
      %add3A_78 = arith.constant 1 : i32
      %add3A_79 = arith.addi %scan3A_42, %add3A_78 : i32
      %lt3A = arith.constant 14 : i32
      %lt3A_80 = arith.cmpi slt, %add3A_79, %lt3A : i32
      %convert_element_type3A_81 = arith.extui %lt3A_80 : i1 to i32
      %cond3A_82 = arith.constant 0 : i32
      %cond3A_83 = arith.cmpi ne, %convert_element_type3A_81, %cond3A_82 : i32
      scf.if %cond3A_83 {
        %add3A_115 = arith.constant 2 : i32
        %add3A_116 = arith.addi %add3A_47, %add3A_115 : i32
        %dma_start3A_117 = arith.constant 0 : i32
        %dma_start3A_118 = tpu.memref_slice %arg2[%add3A_116, %mul3A_2, %dma_start3A_117] : memref<96x512x512xf32, #tpu.memory_space<hbm>> -> memref<1x16x512xf32, #tpu.memory_space<hbm>>
        %dma_start3A_119 = tpu.memref_squeeze %dma_start3A_118 : memref<1x16x512xf32, #tpu.memory_space<hbm>> -> memref<16x512xf32, #tpu.memory_space<hbm>>
        %dma_start3A_120 = arith.constant 0 : i32
        %dma_start3A_121 = tpu.memref_slice %arg2[%add3A_116, %mul3A_2, %dma_start3A_120] : memref<96x512x512xf32, #tpu.memory_space<hbm>> -> memref<1x16x512xf32, #tpu.memory_space<hbm>>
        %dma_start3A_122 = tpu.memref_squeeze %dma_start3A_121 : memref<1x16x512xf32, #tpu.memory_space<hbm>> -> memref<16x512xf32, #tpu.memory_space<hbm>>
        tpu.enqueue_dma source(%dma_start3A_122 : memref<16x512xf32, #tpu.memory_space<hbm>>) target(%arg5 : memref<16x512xf32, #tpu.memory_space<vmem>>) target_semaphore(%arg10 : memref<!tpu.dma_semaphore, #tpu.memory_space<semaphore_mem>>)
      } else {
      }
      %add3A_84 = arith.constant 1 : i32
      %add3A_85 = arith.addi %add3A_47, %add3A_84 : i32
      %dma_wait3A_86 = arith.constant 0 : i32
      %dma_wait3A_87 = tpu.memref_slice %arg2[%add3A_85, %mul3A_2, %dma_wait3A_86] : memref<96x512x512xf32, #tpu.memory_space<hbm>> -> memref<1x16x512xf32, #tpu.memory_space<hbm>>
      %dma_wait3A_88 = tpu.memref_squeeze %dma_wait3A_87 : memref<1x16x512xf32, #tpu.memory_space<hbm>> -> memref<16x512xf32, #tpu.memory_space<hbm>>
      %dma_wait3A_89 = arith.constant 0 : i32
      %dma_wait3A_90 = tpu.memref_slice %arg2[%add3A_85, %mul3A_2, %dma_wait3A_89] : memref<96x512x512xf32, #tpu.memory_space<hbm>> -> memref<1x16x512xf32, #tpu.memory_space<hbm>>
      %dma_wait3A_91 = tpu.memref_squeeze %dma_wait3A_90 : memref<1x16x512xf32, #tpu.memory_space<hbm>> -> memref<16x512xf32, #tpu.memory_space<hbm>>
      tpu.wait_dma2 semaphore(%arg11 : memref<!tpu.dma_semaphore, #tpu.memory_space<semaphore_mem>>) src(%dma_wait3A_91 : memref<16x512xf32, #tpu.memory_space<hbm>>) dst(%arg6 : memref<16x512xf32, #tpu.memory_space<vmem>>)
      %gt3A_92 = arith.constant 0 : i32
      %gt3A_93 = arith.cmpi sgt, %scan3A_42, %gt3A_92 : i32
      %convert_element_type3A_94 = arith.extui %gt3A_93 : i1 to i32
      %cond3A_95 = arith.constant 0 : i32
      %cond3A_96 = arith.cmpi ne, %convert_element_type3A_94, %cond3A_95 : i32
      scf.if %cond3A_96 {
        %sub3A_115 = arith.constant 0 : i32
        %sub3A_116 = arith.subi %add3A_47, %sub3A_115 : i32
        %sub3A_117 = arith.constant 1 : i32
        %sub3A_118 = arith.subi %sub3A_116, %sub3A_117 : i32
        %dma_wait3A_119 = arith.constant 0 : i32
        %dma_wait3A_120 = tpu.memref_slice %arg3[%sub3A_118, %mul3A_2, %dma_wait3A_119] : memref<28x512x512xf32, #tpu.memory_space<hbm>> -> memref<1x16x512xf32, #tpu.memory_space<hbm>>
        %dma_wait3A_121 = tpu.memref_squeeze %dma_wait3A_120 : memref<1x16x512xf32, #tpu.memory_space<hbm>> -> memref<16x512xf32, #tpu.memory_space<hbm>>
        %dma_wait3A_122 = arith.constant 0 : i32
        %dma_wait3A_123 = tpu.memref_slice %arg3[%sub3A_118, %mul3A_2, %dma_wait3A_122] : memref<28x512x512xf32, #tpu.memory_space<hbm>> -> memref<1x16x512xf32, #tpu.memory_space<hbm>>
        %dma_wait3A_124 = tpu.memref_squeeze %dma_wait3A_123 : memref<1x16x512xf32, #tpu.memory_space<hbm>> -> memref<16x512xf32, #tpu.memory_space<hbm>>
        tpu.wait_dma2 semaphore(%arg13 : memref<!tpu.dma_semaphore, #tpu.memory_space<semaphore_mem>>) src(%arg8 : memref<16x512xf32, #tpu.memory_space<vmem>>) dst(%dma_wait3A_124 : memref<16x512xf32, #tpu.memory_space<hbm>>)
      } else {
      }
      %scan3A_97 = arith.constant 0 : i32
      %scan3A_98 = arith.constant 0 : i32
      %scan3A_99 = arith.constant 16 : i32
      %scan3A_100 = arith.addi %scan3A_98, %scan3A_99 : i32
      %scan3A_101 = arith.constant 1 : i32
      %scan3A_102 = scf.for %scan3A_115 = %scan3A_98 to %scan3A_100 step %scan3A_101 iter_args(%scan3A_116 = %scan3A_97) -> (i32)  : i32 {
        %get3A = arith.index_cast %scan3A_115 : i32 to index
        %get3A_117 = arith.constant 0 : index
        %get3A_118 = tpu.vector_load %arg4[%get3A, %get3A_117] {strides = array<i32>} : memref<16x512xf32, #tpu.memory_space<vmem>>, vector<1x16xf32>,
        %get3A_119 = vector.shape_cast %get3A_118 : vector<1x16xf32> to vector<16xf32>
        %gt3A_120 = arith.constant 0.899999976 : f32
        %gt3A_121 = vector.broadcast %gt3A_120 : f32 to vector<16xf32>
        %gt3A_122 = arith.cmpf ogt, %get3A_119, %gt3A_121 : vector<16xf32>
        %get3A_123 = arith.index_cast %scan3A_115 : i32 to index
        %get3A_124 = arith.constant 0 : index
        %get3A_125 = tpu.vector_load %arg6[%get3A_123, %get3A_124] {strides = array<i32>} : memref<16x512xf32, #tpu.memory_space<vmem>>, vector<1x16xf32>,
        %get3A_126 = vector.shape_cast %get3A_125 : vector<1x16xf32> to vector<16xf32>
        %jit3A = arith.constant 0.000000e+00 : f32
        %broadcast_in_dim3A = vector.broadcast %jit3A : f32 to vector<16xf32>
        %select_n3A = arith.select %gt3A_122, %get3A_126, %broadcast_in_dim3A : vector<16xi1>, vector<16xf32>
        %swap3A = arith.index_cast %scan3A_115 : i32 to index
        %swap3A_127 = arith.constant 0 : index
        %swap3A_128 = tpu.vector_load %arg8[%swap3A, %swap3A_127] {strides = array<i32>} : memref<16x512xf32, #tpu.memory_space<vmem>>, vector<1x16xf32>,
        %swap3A_129 = vector.shape_cast %swap3A_128 : vector<1x16xf32> to vector<16xf32>
        %swap3A_130 = vector.shape_cast %select_n3A : vector<16xf32> to vector<1x16xf32>
        tpu.vector_store %arg8[%swap3A, %swap3A_127], %swap3A_130 {strides = array<i32>} : memref<16x512xf32, #tpu.memory_space<vmem>>, vector<1x16xf32>,
        %get3A_131 = arith.index_cast %scan3A_115 : i32 to index
        %get3A_132 = arith.constant 16 : index
        %get3A_133 = tpu.vector_load %arg4[%get3A_131, %get3A_132] {strides = array<i32>} : memref<16x512xf32, #tpu.memory_space<vmem>>, vector<1x16xf32>,
        %get3A_134 = vector.shape_cast %get3A_133 : vector<1x16xf32> to vector<16xf32>
        %gt3A_135 = arith.constant 0.899999976 : f32
        %gt3A_136 = vector.broadcast %gt3A_135 : f32 to vector<16xf32>
        %gt3A_137 = arith.cmpf ogt, %get3A_134, %gt3A_136 : vector<16xf32>
        %get3A_138 = arith.index_cast %scan3A_115 : i32 to index
        %get3A_139 = arith.constant 16 : index
        %get3A_140 = tpu.vector_load %arg6[%get3A_138, %get3A_139] {strides = array<i32>} : memref<16x512xf32, #tpu.memory_space<vmem>>, vector<1x16xf32>,
        %get3A_141 = vector.shape_cast %get3A_140 : vector<1x16xf32> to vector<16xf32>
        %jit3A_142 = arith.constant 0.000000e+00 : f32
        %broadcast_in_dim3A_143 = vector.broadcast %jit3A_142 : f32 to vector<16xf32>
        %select_n3A_144 = arith.select %gt3A_137, %get3A_141, %broadcast_in_dim3A_143 : vector<16xi1>, vector<16xf32>
        %swap3A_145 = arith.index_cast %scan3A_115 : i32 to index
        %swap3A_146 = arith.constant 16 : index
        %swap3A_147 = tpu.vector_load %arg8[%swap3A_145, %swap3A_146] {strides = array<i32>} : memref<16x512xf32, #tpu.memory_space<vmem>>, vector<1x16xf32>,
        %swap3A_148 = vector.shape_cast %swap3A_147 : vector<1x16xf32> to vector<16xf32>
        %swap3A_149 = vector.shape_cast %select_n3A_144 : vector<16xf32> to vector<1x16xf32>
        tpu.vector_store %arg8[%swap3A_145, %swap3A_146], %swap3A_149 {strides = array<i32>} : memref<16x512xf32, #tpu.memory_space<vmem>>, vector<1x16xf32>,
        %get3A_150 = arith.index_cast %scan3A_115 : i32 to index
        %get3A_151 = arith.constant 32 : index
        %get3A_152 = tpu.vector_load %arg4[%get3A_150, %get3A_151] {strides = array<i32>} : memref<16x512xf32, #tpu.memory_space<vmem>>, vector<1x16xf32>,
        %get3A_153 = vector.shape_cast %get3A_152 : vector<1x16xf32> to vector<16xf32>
        %gt3A_154 = arith.constant 0.899999976 : f32
        %gt3A_155 = vector.broadcast %gt3A_154 : f32 to vector<16xf32>
        %gt3A_156 = arith.cmpf ogt, %get3A_153, %gt3A_155 : vector<16xf32>
        %get3A_157 = arith.index_cast %scan3A_115 : i32 to index
        %get3A_158 = arith.constant 32 : index
        %get3A_159 = tpu.vector_load %arg6[%get3A_157, %get3A_158] {strides = array<i32>} : memref<16x512xf32, #tpu.memory_space<vmem>>, vector<1x16xf32>,
        %get3A_160 = vector.shape_cast %get3A_159 : vector<1x16xf32> to vector<16xf32>
        %jit3A_161 = arith.constant 0.000000e+00 : f32
        %broadcast_in_dim3A_162 = vector.broadcast %jit3A_161 : f32 to vector<16xf32>
        %select_n3A_163 = arith.select %gt3A_156, %get3A_160, %broadcast_in_dim3A_162 : vector<16xi1>, vector<16xf32>
        %swap3A_164 = arith.index_cast %scan3A_115 : i32 to index
        %swap3A_165 = arith.constant 32 : index
        %swap3A_166 = tpu.vector_load %arg8[%swap3A_164, %swap3A_165] {strides = array<i32>} : memref<16x512xf32, #tpu.memory_space<vmem>>, vector<1x16xf32>,
        %swap3A_167 = vector.shape_cast %swap3A_166 : vector<1x16xf32> to vector<16xf32>
        %swap3A_168 = vector.shape_cast %select_n3A_163 : vector<16xf32> to vector<1x16xf32>
        tpu.vector_store %arg8[%swap3A_164, %swap3A_165], %swap3A_168 {strides = array<i32>} : memref<16x512xf32, #tpu.memory_space<vmem>>, vector<1x16xf32>,
        %get3A_169 = arith.index_cast %scan3A_115 : i32 to index
        %get3A_170 = arith.constant 48 : index
        %get3A_171 = tpu.vector_load %arg4[%get3A_169, %get3A_170] {strides = array<i32>} : memref<16x512xf32, #tpu.memory_space<vmem>>, vector<1x16xf32>,
        %get3A_172 = vector.shape_cast %get3A_171 : vector<1x16xf32> to vector<16xf32>
        %gt3A_173 = arith.constant 0.899999976 : f32
        %gt3A_174 = vector.broadcast %gt3A_173 : f32 to vector<16xf32>
        %gt3A_175 = arith.cmpf ogt, %get3A_172, %gt3A_174 : vector<16xf32>
        %get3A_176 = arith.index_cast %scan3A_115 : i32 to index
        %get3A_177 = arith.constant 48 : index
        %get3A_178 = tpu.vector_load %arg6[%get3A_176, %get3A_177] {strides = array<i32>} : memref<16x512xf32, #tpu.memory_space<vmem>>, vector<1x16xf32>,
        %get3A_179 = vector.shape_cast %get3A_178 : vector<1x16xf32> to vector<16xf32>
        %jit3A_180 = arith.constant 0.000000e+00 : f32
        %broadcast_in_dim3A_181 = vector.broadcast %jit3A_180 : f32 to vector<16xf32>
        %select_n3A_182 = arith.select %gt3A_175, %get3A_179, %broadcast_in_dim3A_181 : vector<16xi1>, vector<16xf32>
        %swap3A_183 = arith.index_cast %scan3A_115 : i32 to index
        %swap3A_184 = arith.constant 48 : index
        %swap3A_185 = tpu.vector_load %arg8[%swap3A_183, %swap3A_184] {strides = array<i32>} : memref<16x512xf32, #tpu.memory_space<vmem>>, vector<1x16xf32>,
        %swap3A_186 = vector.shape_cast %swap3A_185 : vector<1x16xf32> to vector<16xf32>
        %swap3A_187 = vector.shape_cast %select_n3A_182 : vector<16xf32> to vector<1x16xf32>
        tpu.vector_store %arg8[%swap3A_183, %swap3A_184], %swap3A_187 {strides = array<i32>} : memref<16x512xf32, #tpu.memory_space<vmem>>, vector<1x16xf32>,
        %get3A_188 = arith.index_cast %scan3A_115 : i32 to index
        %get3A_189 = arith.constant 64 : index
        %get3A_190 = tpu.vector_load %arg4[%get3A_188, %get3A_189] {strides = array<i32>} : memref<16x512xf32, #tpu.memory_space<vmem>>, vector<1x16xf32>,
        %get3A_191 = vector.shape_cast %get3A_190 : vector<1x16xf32> to vector<16xf32>
        %gt3A_192 = arith.constant 0.899999976 : f32
        %gt3A_193 = vector.broadcast %gt3A_192 : f32 to vector<16xf32>
        %gt3A_194 = arith.cmpf ogt, %get3A_191, %gt3A_193 : vector<16xf32>
        %get3A_195 = arith.index_cast %scan3A_115 : i32 to index
        %get3A_196 = arith.constant 64 : index
        %get3A_197 = tpu.vector_load %arg6[%get3A_195, %get3A_196] {strides = array<i32>} : memref<16x512xf32, #tpu.memory_space<vmem>>, vector<1x16xf32>,
        %get3A_198 = vector.shape_cast %get3A_197 : vector<1x16xf32> to vector<16xf32>
        %jit3A_199 = arith.constant 0.000000e+00 : f32
        %broadcast_in_dim3A_200 = vector.broadcast %jit3A_199 : f32 to vector<16xf32>
        %select_n3A_201 = arith.select %gt3A_194, %get3A_198, %broadcast_in_dim3A_200 : vector<16xi1>, vector<16xf32>
        %swap3A_202 = arith.index_cast %scan3A_115 : i32 to index
        %swap3A_203 = arith.constant 64 : index
        %swap3A_204 = tpu.vector_load %arg8[%swap3A_202, %swap3A_203] {strides = array<i32>} : memref<16x512xf32, #tpu.memory_space<vmem>>, vector<1x16xf32>,
        %swap3A_205 = vector.shape_cast %swap3A_204 : vector<1x16xf32> to vector<16xf32>
        %swap3A_206 = vector.shape_cast %select_n3A_201 : vector<16xf32> to vector<1x16xf32>
        tpu.vector_store %arg8[%swap3A_202, %swap3A_203], %swap3A_206 {strides = array<i32>} : memref<16x512xf32, #tpu.memory_space<vmem>>, vector<1x16xf32>,
        %get3A_207 = arith.index_cast %scan3A_115 : i32 to index
        %get3A_208 = arith.constant 80 : index
        %get3A_209 = tpu.vector_load %arg4[%get3A_207, %get3A_208] {strides = array<i32>} : memref<16x512xf32, #tpu.memory_space<vmem>>, vector<1x16xf32>,
        %get3A_210 = vector.shape_cast %get3A_209 : vector<1x16xf32> to vector<16xf32>
        %gt3A_211 = arith.constant 0.899999976 : f32
        %gt3A_212 = vector.broadcast %gt3A_211 : f32 to vector<16xf32>
        %gt3A_213 = arith.cmpf ogt, %get3A_210, %gt3A_212 : vector<16xf32>
        %get3A_214 = arith.index_cast %scan3A_115 : i32 to index
        %get3A_215 = arith.constant 80 : index
        %get3A_216 = tpu.vector_load %arg6[%get3A_214, %get3A_215] {strides = array<i32>} : memref<16x512xf32, #tpu.memory_space<vmem>>, vector<1x16xf32>,
        %get3A_217 = vector.shape_cast %get3A_216 : vector<1x16xf32> to vector<16xf32>
        %jit3A_218 = arith.constant 0.000000e+00 : f32
        %broadcast_in_dim3A_219 = vector.broadcast %jit3A_218 : f32 to vector<16xf32>
        %select_n3A_220 = arith.select %gt3A_213, %get3A_217, %broadcast_in_dim3A_219 : vector<16xi1>, vector<16xf32>
        %swap3A_221 = arith.index_cast %scan3A_115 : i32 to index
        %swap3A_222 = arith.constant 80 : index
        %swap3A_223 = tpu.vector_load %arg8[%swap3A_221, %swap3A_222] {strides = array<i32>} : memref<16x512xf32, #tpu.memory_space<vmem>>, vector<1x16xf32>,
        %swap3A_224 = vector.shape_cast %swap3A_223 : vector<1x16xf32> to vector<16xf32>
        %swap3A_225 = vector.shape_cast %select_n3A_220 : vector<16xf32> to vector<1x16xf32>
        tpu.vector_store %arg8[%swap3A_221, %swap3A_222], %swap3A_225 {strides = array<i32>} : memref<16x512xf32, #tpu.memory_space<vmem>>, vector<1x16xf32>,
        %get3A_226 = arith.index_cast %scan3A_115 : i32 to index
        %get3A_227 = arith.constant 96 : index
        %get3A_228 = tpu.vector_load %arg4[%get3A_226, %get3A_227] {strides = array<i32>} : memref<16x512xf32, #tpu.memory_space<vmem>>, vector<1x16xf32>,
        %get3A_229 = vector.shape_cast %get3A_228 : vector<1x16xf32> to vector<16xf32>
        %gt3A_230 = arith.constant 0.899999976 : f32
        %gt3A_231 = vector.broadcast %gt3A_230 : f32 to vector<16xf32>
        %gt3A_232 = arith.cmpf ogt, %get3A_229, %gt3A_231 : vector<16xf32>
        %get3A_233 = arith.index_cast %scan3A_115 : i32 to index
        %get3A_234 = arith.constant 96 : index
        %get3A_235 = tpu.vector_load %arg6[%get3A_233, %get3A_234] {strides = array<i32>} : memref<16x512xf32, #tpu.memory_space<vmem>>, vector<1x16xf32>,
        %get3A_236 = vector.shape_cast %get3A_235 : vector<1x16xf32> to vector<16xf32>
        %jit3A_237 = arith.constant 0.000000e+00 : f32
        %broadcast_in_dim3A_238 = vector.broadcast %jit3A_237 : f32 to vector<16xf32>
        %select_n3A_239 = arith.select %gt3A_232, %get3A_236, %broadcast_in_dim3A_238 : vector<16xi1>, vector<16xf32>
        %swap3A_240 = arith.index_cast %scan3A_115 : i32 to index
        %swap3A_241 = arith.constant 96 : index
        %swap3A_242 = tpu.vector_load %arg8[%swap3A_240, %swap3A_241] {strides = array<i32>} : memref<16x512xf32, #tpu.memory_space<vmem>>, vector<1x16xf32>,
        %swap3A_243 = vector.shape_cast %swap3A_242 : vector<1x16xf32> to vector<16xf32>
        %swap3A_244 = vector.shape_cast %select_n3A_239 : vector<16xf32> to vector<1x16xf32>
        tpu.vector_store %arg8[%swap3A_240, %swap3A_241], %swap3A_244 {strides = array<i32>} : memref<16x512xf32, #tpu.memory_space<vmem>>, vector<1x16xf32>,
        %get3A_245 = arith.index_cast %scan3A_115 : i32 to index
        %get3A_246 = arith.constant 112 : index
        %get3A_247 = tpu.vector_load %arg4[%get3A_245, %get3A_246] {strides = array<i32>} : memref<16x512xf32, #tpu.memory_space<vmem>>, vector<1x16xf32>,
        %get3A_248 = vector.shape_cast %get3A_247 : vector<1x16xf32> to vector<16xf32>
        %gt3A_249 = arith.constant 0.899999976 : f32
        %gt3A_250 = vector.broadcast %gt3A_249 : f32 to vector<16xf32>
        %gt3A_251 = arith.cmpf ogt, %get3A_248, %gt3A_250 : vector<16xf32>
        %get3A_252 = arith.index_cast %scan3A_115 : i32 to index
        %get3A_253 = arith.constant 112 : index
        %get3A_254 = tpu.vector_load %arg6[%get3A_252, %get3A_253] {strides = array<i32>} : memref<16x512xf32, #tpu.memory_space<vmem>>, vector<1x16xf32>,
        %get3A_255 = vector.shape_cast %get3A_254 : vector<1x16xf32> to vector<16xf32>
        %jit3A_256 = arith.constant 0.000000e+00 : f32
        %broadcast_in_dim3A_257 = vector.broadcast %jit3A_256 : f32 to vector<16xf32>
        %select_n3A_258 = arith.select %gt3A_251, %get3A_255, %broadcast_in_dim3A_257 : vector<16xi1>, vector<16xf32>
        %swap3A_259 = arith.index_cast %scan3A_115 : i32 to index
        %swap3A_260 = arith.constant 112 : index
        %swap3A_261 = tpu.vector_load %arg8[%swap3A_259, %swap3A_260] {strides = array<i32>} : memref<16x512xf32, #tpu.memory_space<vmem>>, vector<1x16xf32>,
        %swap3A_262 = vector.shape_cast %swap3A_261 : vector<1x16xf32> to vector<16xf32>
        %swap3A_263 = vector.shape_cast %select_n3A_258 : vector<16xf32> to vector<1x16xf32>
        tpu.vector_store %arg8[%swap3A_259, %swap3A_260], %swap3A_263 {strides = array<i32>} : memref<16x512xf32, #tpu.memory_space<vmem>>, vector<1x16xf32>,
        %get3A_264 = arith.index_cast %scan3A_115 : i32 to index
        %get3A_265 = arith.constant 128 : index
        %get3A_266 = tpu.vector_load %arg4[%get3A_264, %get3A_265] {strides = array<i32>} : memref<16x512xf32, #tpu.memory_space<vmem>>, vector<1x16xf32>,
        %get3A_267 = vector.shape_cast %get3A_266 : vector<1x16xf32> to vector<16xf32>
        %gt3A_268 = arith.constant 0.899999976 : f32
        %gt3A_269 = vector.broadcast %gt3A_268 : f32 to vector<16xf32>
        %gt3A_270 = arith.cmpf ogt, %get3A_267, %gt3A_269 : vector<16xf32>
        %get3A_271 = arith.index_cast %scan3A_115 : i32 to index
        %get3A_272 = arith.constant 128 : index
        %get3A_273 = tpu.vector_load %arg6[%get3A_271, %get3A_272] {strides = array<i32>} : memref<16x512xf32, #tpu.memory_space<vmem>>, vector<1x16xf32>,
        %get3A_274 = vector.shape_cast %get3A_273 : vector<1x16xf32> to vector<16xf32>
        %jit3A_275 = arith.constant 0.000000e+00 : f32
        %broadcast_in_dim3A_276 = vector.broadcast %jit3A_275 : f32 to vector<16xf32>
        %select_n3A_277 = arith.select %gt3A_270, %get3A_274, %broadcast_in_dim3A_276 : vector<16xi1>, vector<16xf32>
        %swap3A_278 = arith.index_cast %scan3A_115 : i32 to index
        %swap3A_279 = arith.constant 128 : index
        %swap3A_280 = tpu.vector_load %arg8[%swap3A_278, %swap3A_279] {strides = array<i32>} : memref<16x512xf32, #tpu.memory_space<vmem>>, vector<1x16xf32>,
        %swap3A_281 = vector.shape_cast %swap3A_280 : vector<1x16xf32> to vector<16xf32>
        %swap3A_282 = vector.shape_cast %select_n3A_277 : vector<16xf32> to vector<1x16xf32>
        tpu.vector_store %arg8[%swap3A_278, %swap3A_279], %swap3A_282 {strides = array<i32>} : memref<16x512xf32, #tpu.memory_space<vmem>>, vector<1x16xf32>,
        %get3A_283 = arith.index_cast %scan3A_115 : i32 to index
        %get3A_284 = arith.constant 144 : index
        %get3A_285 = tpu.vector_load %arg4[%get3A_283, %get3A_284] {strides = array<i32>} : memref<16x512xf32, #tpu.memory_space<vmem>>, vector<1x16xf32>,
        %get3A_286 = vector.shape_cast %get3A_285 : vector<1x16xf32> to vector<16xf32>
        %gt3A_287 = arith.constant 0.899999976 : f32
        %gt3A_288 = vector.broadcast %gt3A_287 : f32 to vector<16xf32>
        %gt3A_289 = arith.cmpf ogt, %get3A_286, %gt3A_288 : vector<16xf32>
        %get3A_290 = arith.index_cast %scan3A_115 : i32 to index
        %get3A_291 = arith.constant 144 : index
        %get3A_292 = tpu.vector_load %arg6[%get3A_290, %get3A_291] {strides = array<i32>} : memref<16x512xf32, #tpu.memory_space<vmem>>, vector<1x16xf32>,
        %get3A_293 = vector.shape_cast %get3A_292 : vector<1x16xf32> to vector<16xf32>
        %jit3A_294 = arith.constant 0.000000e+00 : f32
        %broadcast_in_dim3A_295 = vector.broadcast %jit3A_294 : f32 to vector<16xf32>
        %select_n3A_296 = arith.select %gt3A_289, %get3A_293, %broadcast_in_dim3A_295 : vector<16xi1>, vector<16xf32>
        %swap3A_297 = arith.index_cast %scan3A_115 : i32 to index
        %swap3A_298 = arith.constant 144 : index
        %swap3A_299 = tpu.vector_load %arg8[%swap3A_297, %swap3A_298] {strides = array<i32>} : memref<16x512xf32, #tpu.memory_space<vmem>>, vector<1x16xf32>,
        %swap3A_300 = vector.shape_cast %swap3A_299 : vector<1x16xf32> to vector<16xf32>
        %swap3A_301 = vector.shape_cast %select_n3A_296 : vector<16xf32> to vector<1x16xf32>
        tpu.vector_store %arg8[%swap3A_297, %swap3A_298], %swap3A_301 {strides = array<i32>} : memref<16x512xf32, #tpu.memory_space<vmem>>, vector<1x16xf32>,
        %get3A_302 = arith.index_cast %scan3A_115 : i32 to index
        %get3A_303 = arith.constant 160 : index
        %get3A_304 = tpu.vector_load %arg4[%get3A_302, %get3A_303] {strides = array<i32>} : memref<16x512xf32, #tpu.memory_space<vmem>>, vector<1x16xf32>,
        %get3A_305 = vector.shape_cast %get3A_304 : vector<1x16xf32> to vector<16xf32>
        %gt3A_306 = arith.constant 0.899999976 : f32
        %gt3A_307 = vector.broadcast %gt3A_306 : f32 to vector<16xf32>
        %gt3A_308 = arith.cmpf ogt, %get3A_305, %gt3A_307 : vector<16xf32>
        %get3A_309 = arith.index_cast %scan3A_115 : i32 to index
        %get3A_310 = arith.constant 160 : index
        %get3A_311 = tpu.vector_load %arg6[%get3A_309, %get3A_310] {strides = array<i32>} : memref<16x512xf32, #tpu.memory_space<vmem>>, vector<1x16xf32>,
        %get3A_312 = vector.shape_cast %get3A_311 : vector<1x16xf32> to vector<16xf32>
        %jit3A_313 = arith.constant 0.000000e+00 : f32
        %broadcast_in_dim3A_314 = vector.broadcast %jit3A_313 : f32 to vector<16xf32>
        %select_n3A_315 = arith.select %gt3A_308, %get3A_312, %broadcast_in_dim3A_314 : vector<16xi1>, vector<16xf32>
        %swap3A_316 = arith.index_cast %scan3A_115 : i32 to index
        %swap3A_317 = arith.constant 160 : index
        %swap3A_318 = tpu.vector_load %arg8[%swap3A_316, %swap3A_317] {strides = array<i32>} : memref<16x512xf32, #tpu.memory_space<vmem>>, vector<1x16xf32>,
        %swap3A_319 = vector.shape_cast %swap3A_318 : vector<1x16xf32> to vector<16xf32>
        %swap3A_320 = vector.shape_cast %select_n3A_315 : vector<16xf32> to vector<1x16xf32>
        tpu.vector_store %arg8[%swap3A_316, %swap3A_317], %swap3A_320 {strides = array<i32>} : memref<16x512xf32, #tpu.memory_space<vmem>>, vector<1x16xf32>,
        %get3A_321 = arith.index_cast %scan3A_115 : i32 to index
        %get3A_322 = arith.constant 176 : index
        %get3A_323 = tpu.vector_load %arg4[%get3A_321, %get3A_322] {strides = array<i32>} : memref<16x512xf32, #tpu.memory_space<vmem>>, vector<1x16xf32>,
        %get3A_324 = vector.shape_cast %get3A_323 : vector<1x16xf32> to vector<16xf32>
        %gt3A_325 = arith.constant 0.899999976 : f32
        %gt3A_326 = vector.broadcast %gt3A_325 : f32 to vector<16xf32>
        %gt3A_327 = arith.cmpf ogt, %get3A_324, %gt3A_326 : vector<16xf32>
        %get3A_328 = arith.index_cast %scan3A_115 : i32 to index
        %get3A_329 = arith.constant 176 : index
        %get3A_330 = tpu.vector_load %arg6[%get3A_328, %get3A_329] {strides = array<i32>} : memref<16x512xf32, #tpu.memory_space<vmem>>, vector<1x16xf32>,
        %get3A_331 = vector.shape_cast %get3A_330 : vector<1x16xf32> to vector<16xf32>
        %jit3A_332 = arith.constant 0.000000e+00 : f32
        %broadcast_in_dim3A_333 = vector.broadcast %jit3A_332 : f32 to vector<16xf32>
        %select_n3A_334 = arith.select %gt3A_327, %get3A_331, %broadcast_in_dim3A_333 : vector<16xi1>, vector<16xf32>
        %swap3A_335 = arith.index_cast %scan3A_115 : i32 to index
        %swap3A_336 = arith.constant 176 : index
        %swap3A_337 = tpu.vector_load %arg8[%swap3A_335, %swap3A_336] {strides = array<i32>} : memref<16x512xf32, #tpu.memory_space<vmem>>, vector<1x16xf32>,
        %swap3A_338 = vector.shape_cast %swap3A_337 : vector<1x16xf32> to vector<16xf32>
        %swap3A_339 = vector.shape_cast %select_n3A_334 : vector<16xf32> to vector<1x16xf32>
        tpu.vector_store %arg8[%swap3A_335, %swap3A_336], %swap3A_339 {strides = array<i32>} : memref<16x512xf32, #tpu.memory_space<vmem>>, vector<1x16xf32>,
        %get3A_340 = arith.index_cast %scan3A_115 : i32 to index
        %get3A_341 = arith.constant 192 : index
        %get3A_342 = tpu.vector_load %arg4[%get3A_340, %get3A_341] {strides = array<i32>} : memref<16x512xf32, #tpu.memory_space<vmem>>, vector<1x16xf32>,
        %get3A_343 = vector.shape_cast %get3A_342 : vector<1x16xf32> to vector<16xf32>
        %gt3A_344 = arith.constant 0.899999976 : f32
        %gt3A_345 = vector.broadcast %gt3A_344 : f32 to vector<16xf32>
        %gt3A_346 = arith.cmpf ogt, %get3A_343, %gt3A_345 : vector<16xf32>
        %get3A_347 = arith.index_cast %scan3A_115 : i32 to index
        %get3A_348 = arith.constant 192 : index
        %get3A_349 = tpu.vector_load %arg6[%get3A_347, %get3A_348] {strides = array<i32>} : memref<16x512xf32, #tpu.memory_space<vmem>>, vector<1x16xf32>,
        %get3A_350 = vector.shape_cast %get3A_349 : vector<1x16xf32> to vector<16xf32>
        %jit3A_351 = arith.constant 0.000000e+00 : f32
        %broadcast_in_dim3A_352 = vector.broadcast %jit3A_351 : f32 to vector<16xf32>
        %select_n3A_353 = arith.select %gt3A_346, %get3A_350, %broadcast_in_dim3A_352 : vector<16xi1>, vector<16xf32>
        %swap3A_354 = arith.index_cast %scan3A_115 : i32 to index
        %swap3A_355 = arith.constant 192 : index
        %swap3A_356 = tpu.vector_load %arg8[%swap3A_354, %swap3A_355] {strides = array<i32>} : memref<16x512xf32, #tpu.memory_space<vmem>>, vector<1x16xf32>,
        %swap3A_357 = vector.shape_cast %swap3A_356 : vector<1x16xf32> to vector<16xf32>
        %swap3A_358 = vector.shape_cast %select_n3A_353 : vector<16xf32> to vector<1x16xf32>
        tpu.vector_store %arg8[%swap3A_354, %swap3A_355], %swap3A_358 {strides = array<i32>} : memref<16x512xf32, #tpu.memory_space<vmem>>, vector<1x16xf32>,
        %get3A_359 = arith.index_cast %scan3A_115 : i32 to index
        %get3A_360 = arith.constant 208 : index
        %get3A_361 = tpu.vector_load %arg4[%get3A_359, %get3A_360] {strides = array<i32>} : memref<16x512xf32, #tpu.memory_space<vmem>>, vector<1x16xf32>,
        %get3A_362 = vector.shape_cast %get3A_361 : vector<1x16xf32> to vector<16xf32>
        %gt3A_363 = arith.constant 0.899999976 : f32
        %gt3A_364 = vector.broadcast %gt3A_363 : f32 to vector<16xf32>
        %gt3A_365 = arith.cmpf ogt, %get3A_362, %gt3A_364 : vector<16xf32>
        %get3A_366 = arith.index_cast %scan3A_115 : i32 to index
        %get3A_367 = arith.constant 208 : index
        %get3A_368 = tpu.vector_load %arg6[%get3A_366, %get3A_367] {strides = array<i32>} : memref<16x512xf32, #tpu.memory_space<vmem>>, vector<1x16xf32>,
        %get3A_369 = vector.shape_cast %get3A_368 : vector<1x16xf32> to vector<16xf32>
        %jit3A_370 = arith.constant 0.000000e+00 : f32
        %broadcast_in_dim3A_371 = vector.broadcast %jit3A_370 : f32 to vector<16xf32>
        %select_n3A_372 = arith.select %gt3A_365, %get3A_369, %broadcast_in_dim3A_371 : vector<16xi1>, vector<16xf32>
        %swap3A_373 = arith.index_cast %scan3A_115 : i32 to index
        %swap3A_374 = arith.constant 208 : index
        %swap3A_375 = tpu.vector_load %arg8[%swap3A_373, %swap3A_374] {strides = array<i32>} : memref<16x512xf32, #tpu.memory_space<vmem>>, vector<1x16xf32>,
        %swap3A_376 = vector.shape_cast %swap3A_375 : vector<1x16xf32> to vector<16xf32>
        %swap3A_377 = vector.shape_cast %select_n3A_372 : vector<16xf32> to vector<1x16xf32>
        tpu.vector_store %arg8[%swap3A_373, %swap3A_374], %swap3A_377 {strides = array<i32>} : memref<16x512xf32, #tpu.memory_space<vmem>>, vector<1x16xf32>,
        %get3A_378 = arith.index_cast %scan3A_115 : i32 to index
        %get3A_379 = arith.constant 224 : index
        %get3A_380 = tpu.vector_load %arg4[%get3A_378, %get3A_379] {strides = array<i32>} : memref<16x512xf32, #tpu.memory_space<vmem>>, vector<1x16xf32>,
        %get3A_381 = vector.shape_cast %get3A_380 : vector<1x16xf32> to vector<16xf32>
        %gt3A_382 = arith.constant 0.899999976 : f32
        %gt3A_383 = vector.broadcast %gt3A_382 : f32 to vector<16xf32>
        %gt3A_384 = arith.cmpf ogt, %get3A_381, %gt3A_383 : vector<16xf32>
        %get3A_385 = arith.index_cast %scan3A_115 : i32 to index
        %get3A_386 = arith.constant 224 : index
        %get3A_387 = tpu.vector_load %arg6[%get3A_385, %get3A_386] {strides = array<i32>} : memref<16x512xf32, #tpu.memory_space<vmem>>, vector<1x16xf32>,
        %get3A_388 = vector.shape_cast %get3A_387 : vector<1x16xf32> to vector<16xf32>
        %jit3A_389 = arith.constant 0.000000e+00 : f32
        %broadcast_in_dim3A_390 = vector.broadcast %jit3A_389 : f32 to vector<16xf32>
        %select_n3A_391 = arith.select %gt3A_384, %get3A_388, %broadcast_in_dim3A_390 : vector<16xi1>, vector<16xf32>
        %swap3A_392 = arith.index_cast %scan3A_115 : i32 to index
        %swap3A_393 = arith.constant 224 : index
        %swap3A_394 = tpu.vector_load %arg8[%swap3A_392, %swap3A_393] {strides = array<i32>} : memref<16x512xf32, #tpu.memory_space<vmem>>, vector<1x16xf32>,
        %swap3A_395 = vector.shape_cast %swap3A_394 : vector<1x16xf32> to vector<16xf32>
        %swap3A_396 = vector.shape_cast %select_n3A_391 : vector<16xf32> to vector<1x16xf32>
        tpu.vector_store %arg8[%swap3A_392, %swap3A_393], %swap3A_396 {strides = array<i32>} : memref<16x512xf32, #tpu.memory_space<vmem>>, vector<1x16xf32>,
        %get3A_397 = arith.index_cast %scan3A_115 : i32 to index
        %get3A_398 = arith.constant 240 : index
        %get3A_399 = tpu.vector_load %arg4[%get3A_397, %get3A_398] {strides = array<i32>} : memref<16x512xf32, #tpu.memory_space<vmem>>, vector<1x16xf32>,
        %get3A_400 = vector.shape_cast %get3A_399 : vector<1x16xf32> to vector<16xf32>
        %gt3A_401 = arith.constant 0.899999976 : f32
        %gt3A_402 = vector.broadcast %gt3A_401 : f32 to vector<16xf32>
        %gt3A_403 = arith.cmpf ogt, %get3A_400, %gt3A_402 : vector<16xf32>
        %get3A_404 = arith.index_cast %scan3A_115 : i32 to index
        %get3A_405 = arith.constant 240 : index
        %get3A_406 = tpu.vector_load %arg6[%get3A_404, %get3A_405] {strides = array<i32>} : memref<16x512xf32, #tpu.memory_space<vmem>>, vector<1x16xf32>,
        %get3A_407 = vector.shape_cast %get3A_406 : vector<1x16xf32> to vector<16xf32>
        %jit3A_408 = arith.constant 0.000000e+00 : f32
        %broadcast_in_dim3A_409 = vector.broadcast %jit3A_408 : f32 to vector<16xf32>
        %select_n3A_410 = arith.select %gt3A_403, %get3A_407, %broadcast_in_dim3A_409 : vector<16xi1>, vector<16xf32>
        %swap3A_411 = arith.index_cast %scan3A_115 : i32 to index
        %swap3A_412 = arith.constant 240 : index
        %swap3A_413 = tpu.vector_load %arg8[%swap3A_411, %swap3A_412] {strides = array<i32>} : memref<16x512xf32, #tpu.memory_space<vmem>>, vector<1x16xf32>,
        %swap3A_414 = vector.shape_cast %swap3A_413 : vector<1x16xf32> to vector<16xf32>
        %swap3A_415 = vector.shape_cast %select_n3A_410 : vector<16xf32> to vector<1x16xf32>
        tpu.vector_store %arg8[%swap3A_411, %swap3A_412], %swap3A_415 {strides = array<i32>} : memref<16x512xf32, #tpu.memory_space<vmem>>, vector<1x16xf32>,
        %get3A_416 = arith.index_cast %scan3A_115 : i32 to index
        %get3A_417 = arith.constant 256 : index
        %get3A_418 = tpu.vector_load %arg4[%get3A_416, %get3A_417] {strides = array<i32>} : memref<16x512xf32, #tpu.memory_space<vmem>>, vector<1x16xf32>,
        %get3A_419 = vector.shape_cast %get3A_418 : vector<1x16xf32> to vector<16xf32>
        %gt3A_420 = arith.constant 0.899999976 : f32
        %gt3A_421 = vector.broadcast %gt3A_420 : f32 to vector<16xf32>
        %gt3A_422 = arith.cmpf ogt, %get3A_419, %gt3A_421 : vector<16xf32>
        %get3A_423 = arith.index_cast %scan3A_115 : i32 to index
        %get3A_424 = arith.constant 256 : index
        %get3A_425 = tpu.vector_load %arg6[%get3A_423, %get3A_424] {strides = array<i32>} : memref<16x512xf32, #tpu.memory_space<vmem>>, vector<1x16xf32>,
        %get3A_426 = vector.shape_cast %get3A_425 : vector<1x16xf32> to vector<16xf32>
        %jit3A_427 = arith.constant 0.000000e+00 : f32
        %broadcast_in_dim3A_428 = vector.broadcast %jit3A_427 : f32 to vector<16xf32>
        %select_n3A_429 = arith.select %gt3A_422, %get3A_426, %broadcast_in_dim3A_428 : vector<16xi1>, vector<16xf32>
        %swap3A_430 = arith.index_cast %scan3A_115 : i32 to index
        %swap3A_431 = arith.constant 256 : index
        %swap3A_432 = tpu.vector_load %arg8[%swap3A_430, %swap3A_431] {strides = array<i32>} : memref<16x512xf32, #tpu.memory_space<vmem>>, vector<1x16xf32>,
        %swap3A_433 = vector.shape_cast %swap3A_432 : vector<1x16xf32> to vector<16xf32>
        %swap3A_434 = vector.shape_cast %select_n3A_429 : vector<16xf32> to vector<1x16xf32>
        tpu.vector_store %arg8[%swap3A_430, %swap3A_431], %swap3A_434 {strides = array<i32>} : memref<16x512xf32, #tpu.memory_space<vmem>>, vector<1x16xf32>,
        %get3A_435 = arith.index_cast %scan3A_115 : i32 to index
        %get3A_436 = arith.constant 272 : index
        %get3A_437 = tpu.vector_load %arg4[%get3A_435, %get3A_436] {strides = array<i32>} : memref<16x512xf32, #tpu.memory_space<vmem>>, vector<1x16xf32>,
        %get3A_438 = vector.shape_cast %get3A_437 : vector<1x16xf32> to vector<16xf32>
        %gt3A_439 = arith.constant 0.899999976 : f32
        %gt3A_440 = vector.broadcast %gt3A_439 : f32 to vector<16xf32>
        %gt3A_441 = arith.cmpf ogt, %get3A_438, %gt3A_440 : vector<16xf32>
        %get3A_442 = arith.index_cast %scan3A_115 : i32 to index
        %get3A_443 = arith.constant 272 : index
        %get3A_444 = tpu.vector_load %arg6[%get3A_442, %get3A_443] {strides = array<i32>} : memref<16x512xf32, #tpu.memory_space<vmem>>, vector<1x16xf32>,
        %get3A_445 = vector.shape_cast %get3A_444 : vector<1x16xf32> to vector<16xf32>
        %jit3A_446 = arith.constant 0.000000e+00 : f32
        %broadcast_in_dim3A_447 = vector.broadcast %jit3A_446 : f32 to vector<16xf32>
        %select_n3A_448 = arith.select %gt3A_441, %get3A_445, %broadcast_in_dim3A_447 : vector<16xi1>, vector<16xf32>
        %swap3A_449 = arith.index_cast %scan3A_115 : i32 to index
        %swap3A_450 = arith.constant 272 : index
        %swap3A_451 = tpu.vector_load %arg8[%swap3A_449, %swap3A_450] {strides = array<i32>} : memref<16x512xf32, #tpu.memory_space<vmem>>, vector<1x16xf32>,
        %swap3A_452 = vector.shape_cast %swap3A_451 : vector<1x16xf32> to vector<16xf32>
        %swap3A_453 = vector.shape_cast %select_n3A_448 : vector<16xf32> to vector<1x16xf32>
        tpu.vector_store %arg8[%swap3A_449, %swap3A_450], %swap3A_453 {strides = array<i32>} : memref<16x512xf32, #tpu.memory_space<vmem>>, vector<1x16xf32>,
        %get3A_454 = arith.index_cast %scan3A_115 : i32 to index
        %get3A_455 = arith.constant 288 : index
        %get3A_456 = tpu.vector_load %arg4[%get3A_454, %get3A_455] {strides = array<i32>} : memref<16x512xf32, #tpu.memory_space<vmem>>, vector<1x16xf32>,
        %get3A_457 = vector.shape_cast %get3A_456 : vector<1x16xf32> to vector<16xf32>
        %gt3A_458 = arith.constant 0.899999976 : f32
        %gt3A_459 = vector.broadcast %gt3A_458 : f32 to vector<16xf32>
        %gt3A_460 = arith.cmpf ogt, %get3A_457, %gt3A_459 : vector<16xf32>
        %get3A_461 = arith.index_cast %scan3A_115 : i32 to index
        %get3A_462 = arith.constant 288 : index
        %get3A_463 = tpu.vector_load %arg6[%get3A_461, %get3A_462] {strides = array<i32>} : memref<16x512xf32, #tpu.memory_space<vmem>>, vector<1x16xf32>,
        %get3A_464 = vector.shape_cast %get3A_463 : vector<1x16xf32> to vector<16xf32>
        %jit3A_465 = arith.constant 0.000000e+00 : f32
        %broadcast_in_dim3A_466 = vector.broadcast %jit3A_465 : f32 to vector<16xf32>
        %select_n3A_467 = arith.select %gt3A_460, %get3A_464, %broadcast_in_dim3A_466 : vector<16xi1>, vector<16xf32>
        %swap3A_468 = arith.index_cast %scan3A_115 : i32 to index
        %swap3A_469 = arith.constant 288 : index
        %swap3A_470 = tpu.vector_load %arg8[%swap3A_468, %swap3A_469] {strides = array<i32>} : memref<16x512xf32, #tpu.memory_space<vmem>>, vector<1x16xf32>,
        %swap3A_471 = vector.shape_cast %swap3A_470 : vector<1x16xf32> to vector<16xf32>
        %swap3A_472 = vector.shape_cast %select_n3A_467 : vector<16xf32> to vector<1x16xf32>
        tpu.vector_store %arg8[%swap3A_468, %swap3A_469], %swap3A_472 {strides = array<i32>} : memref<16x512xf32, #tpu.memory_space<vmem>>, vector<1x16xf32>,
        %get3A_473 = arith.index_cast %scan3A_115 : i32 to index
        %get3A_474 = arith.constant 304 : index
        %get3A_475 = tpu.vector_load %arg4[%get3A_473, %get3A_474] {strides = array<i32>} : memref<16x512xf32, #tpu.memory_space<vmem>>, vector<1x16xf32>,
        %get3A_476 = vector.shape_cast %get3A_475 : vector<1x16xf32> to vector<16xf32>
        %gt3A_477 = arith.constant 0.899999976 : f32
        %gt3A_478 = vector.broadcast %gt3A_477 : f32 to vector<16xf32>
        %gt3A_479 = arith.cmpf ogt, %get3A_476, %gt3A_478 : vector<16xf32>
        %get3A_480 = arith.index_cast %scan3A_115 : i32 to index
        %get3A_481 = arith.constant 304 : index
        %get3A_482 = tpu.vector_load %arg6[%get3A_480, %get3A_481] {strides = array<i32>} : memref<16x512xf32, #tpu.memory_space<vmem>>, vector<1x16xf32>,
        %get3A_483 = vector.shape_cast %get3A_482 : vector<1x16xf32> to vector<16xf32>
        %jit3A_484 = arith.constant 0.000000e+00 : f32
        %broadcast_in_dim3A_485 = vector.broadcast %jit3A_484 : f32 to vector<16xf32>
        %select_n3A_486 = arith.select %gt3A_479, %get3A_483, %broadcast_in_dim3A_485 : vector<16xi1>, vector<16xf32>
        %swap3A_487 = arith.index_cast %scan3A_115 : i32 to index
        %swap3A_488 = arith.constant 304 : index
        %swap3A_489 = tpu.vector_load %arg8[%swap3A_487, %swap3A_488] {strides = array<i32>} : memref<16x512xf32, #tpu.memory_space<vmem>>, vector<1x16xf32>,
        %swap3A_490 = vector.shape_cast %swap3A_489 : vector<1x16xf32> to vector<16xf32>
        %swap3A_491 = vector.shape_cast %select_n3A_486 : vector<16xf32> to vector<1x16xf32>
        tpu.vector_store %arg8[%swap3A_487, %swap3A_488], %swap3A_491 {strides = array<i32>} : memref<16x512xf32, #tpu.memory_space<vmem>>, vector<1x16xf32>,
        %get3A_492 = arith.index_cast %scan3A_115 : i32 to index
        %get3A_493 = arith.constant 320 : index
        %get3A_494 = tpu.vector_load %arg4[%get3A_492, %get3A_493] {strides = array<i32>} : memref<16x512xf32, #tpu.memory_space<vmem>>, vector<1x16xf32>,
        %get3A_495 = vector.shape_cast %get3A_494 : vector<1x16xf32> to vector<16xf32>
        %gt3A_496 = arith.constant 0.899999976 : f32
        %gt3A_497 = vector.broadcast %gt3A_496 : f32 to vector<16xf32>
        %gt3A_498 = arith.cmpf ogt, %get3A_495, %gt3A_497 : vector<16xf32>
        %get3A_499 = arith.index_cast %scan3A_115 : i32 to index
        %get3A_500 = arith.constant 320 : index
        %get3A_501 = tpu.vector_load %arg6[%get3A_499, %get3A_500] {strides = array<i32>} : memref<16x512xf32, #tpu.memory_space<vmem>>, vector<1x16xf32>,
        %get3A_502 = vector.shape_cast %get3A_501 : vector<1x16xf32> to vector<16xf32>
        %jit3A_503 = arith.constant 0.000000e+00 : f32
        %broadcast_in_dim3A_504 = vector.broadcast %jit3A_503 : f32 to vector<16xf32>
        %select_n3A_505 = arith.select %gt3A_498, %get3A_502, %broadcast_in_dim3A_504 : vector<16xi1>, vector<16xf32>
        %swap3A_506 = arith.index_cast %scan3A_115 : i32 to index
        %swap3A_507 = arith.constant 320 : index
        %swap3A_508 = tpu.vector_load %arg8[%swap3A_506, %swap3A_507] {strides = array<i32>} : memref<16x512xf32, #tpu.memory_space<vmem>>, vector<1x16xf32>,
        %swap3A_509 = vector.shape_cast %swap3A_508 : vector<1x16xf32> to vector<16xf32>
        %swap3A_510 = vector.shape_cast %select_n3A_505 : vector<16xf32> to vector<1x16xf32>
        tpu.vector_store %arg8[%swap3A_506, %swap3A_507], %swap3A_510 {strides = array<i32>} : memref<16x512xf32, #tpu.memory_space<vmem>>, vector<1x16xf32>,
        %get3A_511 = arith.index_cast %scan3A_115 : i32 to index
        %get3A_512 = arith.constant 336 : index
        %get3A_513 = tpu.vector_load %arg4[%get3A_511, %get3A_512] {strides = array<i32>} : memref<16x512xf32, #tpu.memory_space<vmem>>, vector<1x16xf32>,
        %get3A_514 = vector.shape_cast %get3A_513 : vector<1x16xf32> to vector<16xf32>
        %gt3A_515 = arith.constant 0.899999976 : f32
        %gt3A_516 = vector.broadcast %gt3A_515 : f32 to vector<16xf32>
        %gt3A_517 = arith.cmpf ogt, %get3A_514, %gt3A_516 : vector<16xf32>
        %get3A_518 = arith.index_cast %scan3A_115 : i32 to index
        %get3A_519 = arith.constant 336 : index
        %get3A_520 = tpu.vector_load %arg6[%get3A_518, %get3A_519] {strides = array<i32>} : memref<16x512xf32, #tpu.memory_space<vmem>>, vector<1x16xf32>,
        %get3A_521 = vector.shape_cast %get3A_520 : vector<1x16xf32> to vector<16xf32>
        %jit3A_522 = arith.constant 0.000000e+00 : f32
        %broadcast_in_dim3A_523 = vector.broadcast %jit3A_522 : f32 to vector<16xf32>
        %select_n3A_524 = arith.select %gt3A_517, %get3A_521, %broadcast_in_dim3A_523 : vector<16xi1>, vector<16xf32>
        %swap3A_525 = arith.index_cast %scan3A_115 : i32 to index
        %swap3A_526 = arith.constant 336 : index
        %swap3A_527 = tpu.vector_load %arg8[%swap3A_525, %swap3A_526] {strides = array<i32>} : memref<16x512xf32, #tpu.memory_space<vmem>>, vector<1x16xf32>,
        %swap3A_528 = vector.shape_cast %swap3A_527 : vector<1x16xf32> to vector<16xf32>
        %swap3A_529 = vector.shape_cast %select_n3A_524 : vector<16xf32> to vector<1x16xf32>
        tpu.vector_store %arg8[%swap3A_525, %swap3A_526], %swap3A_529 {strides = array<i32>} : memref<16x512xf32, #tpu.memory_space<vmem>>, vector<1x16xf32>,
        %get3A_530 = arith.index_cast %scan3A_115 : i32 to index
        %get3A_531 = arith.constant 352 : index
        %get3A_532 = tpu.vector_load %arg4[%get3A_530, %get3A_531] {strides = array<i32>} : memref<16x512xf32, #tpu.memory_space<vmem>>, vector<1x16xf32>,
        %get3A_533 = vector.shape_cast %get3A_532 : vector<1x16xf32> to vector<16xf32>
        %gt3A_534 = arith.constant 0.899999976 : f32
        %gt3A_535 = vector.broadcast %gt3A_534 : f32 to vector<16xf32>
        %gt3A_536 = arith.cmpf ogt, %get3A_533, %gt3A_535 : vector<16xf32>
        %get3A_537 = arith.index_cast %scan3A_115 : i32 to index
        %get3A_538 = arith.constant 352 : index
        %get3A_539 = tpu.vector_load %arg6[%get3A_537, %get3A_538] {strides = array<i32>} : memref<16x512xf32, #tpu.memory_space<vmem>>, vector<1x16xf32>,
        %get3A_540 = vector.shape_cast %get3A_539 : vector<1x16xf32> to vector<16xf32>
        %jit3A_541 = arith.constant 0.000000e+00 : f32
        %broadcast_in_dim3A_542 = vector.broadcast %jit3A_541 : f32 to vector<16xf32>
        %select_n3A_543 = arith.select %gt3A_536, %get3A_540, %broadcast_in_dim3A_542 : vector<16xi1>, vector<16xf32>
        %swap3A_544 = arith.index_cast %scan3A_115 : i32 to index
        %swap3A_545 = arith.constant 352 : index
        %swap3A_546 = tpu.vector_load %arg8[%swap3A_544, %swap3A_545] {strides = array<i32>} : memref<16x512xf32, #tpu.memory_space<vmem>>, vector<1x16xf32>,
        %swap3A_547 = vector.shape_cast %swap3A_546 : vector<1x16xf32> to vector<16xf32>
        %swap3A_548 = vector.shape_cast %select_n3A_543 : vector<16xf32> to vector<1x16xf32>
        tpu.vector_store %arg8[%swap3A_544, %swap3A_545], %swap3A_548 {strides = array<i32>} : memref<16x512xf32, #tpu.memory_space<vmem>>, vector<1x16xf32>,
        %get3A_549 = arith.index_cast %scan3A_115 : i32 to index
        %get3A_550 = arith.constant 368 : index
        %get3A_551 = tpu.vector_load %arg4[%get3A_549, %get3A_550] {strides = array<i32>} : memref<16x512xf32, #tpu.memory_space<vmem>>, vector<1x16xf32>,
        %get3A_552 = vector.shape_cast %get3A_551 : vector<1x16xf32> to vector<16xf32>
        %gt3A_553 = arith.constant 0.899999976 : f32
        %gt3A_554 = vector.broadcast %gt3A_553 : f32 to vector<16xf32>
        %gt3A_555 = arith.cmpf ogt, %get3A_552, %gt3A_554 : vector<16xf32>
        %get3A_556 = arith.index_cast %scan3A_115 : i32 to index
        %get3A_557 = arith.constant 368 : index
        %get3A_558 = tpu.vector_load %arg6[%get3A_556, %get3A_557] {strides = array<i32>} : memref<16x512xf32, #tpu.memory_space<vmem>>, vector<1x16xf32>,
        %get3A_559 = vector.shape_cast %get3A_558 : vector<1x16xf32> to vector<16xf32>
        %jit3A_560 = arith.constant 0.000000e+00 : f32
        %broadcast_in_dim3A_561 = vector.broadcast %jit3A_560 : f32 to vector<16xf32>
        %select_n3A_562 = arith.select %gt3A_555, %get3A_559, %broadcast_in_dim3A_561 : vector<16xi1>, vector<16xf32>
        %swap3A_563 = arith.index_cast %scan3A_115 : i32 to index
        %swap3A_564 = arith.constant 368 : index
        %swap3A_565 = tpu.vector_load %arg8[%swap3A_563, %swap3A_564] {strides = array<i32>} : memref<16x512xf32, #tpu.memory_space<vmem>>, vector<1x16xf32>,
        %swap3A_566 = vector.shape_cast %swap3A_565 : vector<1x16xf32> to vector<16xf32>
        %swap3A_567 = vector.shape_cast %select_n3A_562 : vector<16xf32> to vector<1x16xf32>
        tpu.vector_store %arg8[%swap3A_563, %swap3A_564], %swap3A_567 {strides = array<i32>} : memref<16x512xf32, #tpu.memory_space<vmem>>, vector<1x16xf32>,
        %get3A_568 = arith.index_cast %scan3A_115 : i32 to index
        %get3A_569 = arith.constant 384 : index
        %get3A_570 = tpu.vector_load %arg4[%get3A_568, %get3A_569] {strides = array<i32>} : memref<16x512xf32, #tpu.memory_space<vmem>>, vector<1x16xf32>,
        %get3A_571 = vector.shape_cast %get3A_570 : vector<1x16xf32> to vector<16xf32>
        %gt3A_572 = arith.constant 0.899999976 : f32
        %gt3A_573 = vector.broadcast %gt3A_572 : f32 to vector<16xf32>
        %gt3A_574 = arith.cmpf ogt, %get3A_571, %gt3A_573 : vector<16xf32>
        %get3A_575 = arith.index_cast %scan3A_115 : i32 to index
        %get3A_576 = arith.constant 384 : index
        %get3A_577 = tpu.vector_load %arg6[%get3A_575, %get3A_576] {strides = array<i32>} : memref<16x512xf32, #tpu.memory_space<vmem>>, vector<1x16xf32>,
        %get3A_578 = vector.shape_cast %get3A_577 : vector<1x16xf32> to vector<16xf32>
        %jit3A_579 = arith.constant 0.000000e+00 : f32
        %broadcast_in_dim3A_580 = vector.broadcast %jit3A_579 : f32 to vector<16xf32>
        %select_n3A_581 = arith.select %gt3A_574, %get3A_578, %broadcast_in_dim3A_580 : vector<16xi1>, vector<16xf32>
        %swap3A_582 = arith.index_cast %scan3A_115 : i32 to index
        %swap3A_583 = arith.constant 384 : index
        %swap3A_584 = tpu.vector_load %arg8[%swap3A_582, %swap3A_583] {strides = array<i32>} : memref<16x512xf32, #tpu.memory_space<vmem>>, vector<1x16xf32>,
        %swap3A_585 = vector.shape_cast %swap3A_584 : vector<1x16xf32> to vector<16xf32>
        %swap3A_586 = vector.shape_cast %select_n3A_581 : vector<16xf32> to vector<1x16xf32>
        tpu.vector_store %arg8[%swap3A_582, %swap3A_583], %swap3A_586 {strides = array<i32>} : memref<16x512xf32, #tpu.memory_space<vmem>>, vector<1x16xf32>,
        %get3A_587 = arith.index_cast %scan3A_115 : i32 to index
        %get3A_588 = arith.constant 400 : index
        %get3A_589 = tpu.vector_load %arg4[%get3A_587, %get3A_588] {strides = array<i32>} : memref<16x512xf32, #tpu.memory_space<vmem>>, vector<1x16xf32>,
        %get3A_590 = vector.shape_cast %get3A_589 : vector<1x16xf32> to vector<16xf32>
        %gt3A_591 = arith.constant 0.899999976 : f32
        %gt3A_592 = vector.broadcast %gt3A_591 : f32 to vector<16xf32>
        %gt3A_593 = arith.cmpf ogt, %get3A_590, %gt3A_592 : vector<16xf32>
        %get3A_594 = arith.index_cast %scan3A_115 : i32 to index
        %get3A_595 = arith.constant 400 : index
        %get3A_596 = tpu.vector_load %arg6[%get3A_594, %get3A_595] {strides = array<i32>} : memref<16x512xf32, #tpu.memory_space<vmem>>, vector<1x16xf32>,
        %get3A_597 = vector.shape_cast %get3A_596 : vector<1x16xf32> to vector<16xf32>
        %jit3A_598 = arith.constant 0.000000e+00 : f32
        %broadcast_in_dim3A_599 = vector.broadcast %jit3A_598 : f32 to vector<16xf32>
        %select_n3A_600 = arith.select %gt3A_593, %get3A_597, %broadcast_in_dim3A_599 : vector<16xi1>, vector<16xf32>
        %swap3A_601 = arith.index_cast %scan3A_115 : i32 to index
        %swap3A_602 = arith.constant 400 : index
        %swap3A_603 = tpu.vector_load %arg8[%swap3A_601, %swap3A_602] {strides = array<i32>} : memref<16x512xf32, #tpu.memory_space<vmem>>, vector<1x16xf32>,
        %swap3A_604 = vector.shape_cast %swap3A_603 : vector<1x16xf32> to vector<16xf32>
        %swap3A_605 = vector.shape_cast %select_n3A_600 : vector<16xf32> to vector<1x16xf32>
        tpu.vector_store %arg8[%swap3A_601, %swap3A_602], %swap3A_605 {strides = array<i32>} : memref<16x512xf32, #tpu.memory_space<vmem>>, vector<1x16xf32>,
        %get3A_606 = arith.index_cast %scan3A_115 : i32 to index
        %get3A_607 = arith.constant 416 : index
        %get3A_608 = tpu.vector_load %arg4[%get3A_606, %get3A_607] {strides = array<i32>} : memref<16x512xf32, #tpu.memory_space<vmem>>, vector<1x16xf32>,
        %get3A_609 = vector.shape_cast %get3A_608 : vector<1x16xf32> to vector<16xf32>
        %gt3A_610 = arith.constant 0.899999976 : f32
        %gt3A_611 = vector.broadcast %gt3A_610 : f32 to vector<16xf32>
        %gt3A_612 = arith.cmpf ogt, %get3A_609, %gt3A_611 : vector<16xf32>
        %get3A_613 = arith.index_cast %scan3A_115 : i32 to index
        %get3A_614 = arith.constant 416 : index
        %get3A_615 = tpu.vector_load %arg6[%get3A_613, %get3A_614] {strides = array<i32>} : memref<16x512xf32, #tpu.memory_space<vmem>>, vector<1x16xf32>,
        %get3A_616 = vector.shape_cast %get3A_615 : vector<1x16xf32> to vector<16xf32>
        %jit3A_617 = arith.constant 0.000000e+00 : f32
        %broadcast_in_dim3A_618 = vector.broadcast %jit3A_617 : f32 to vector<16xf32>
        %select_n3A_619 = arith.select %gt3A_612, %get3A_616, %broadcast_in_dim3A_618 : vector<16xi1>, vector<16xf32>
        %swap3A_620 = arith.index_cast %scan3A_115 : i32 to index
        %swap3A_621 = arith.constant 416 : index
        %swap3A_622 = tpu.vector_load %arg8[%swap3A_620, %swap3A_621] {strides = array<i32>} : memref<16x512xf32, #tpu.memory_space<vmem>>, vector<1x16xf32>,
        %swap3A_623 = vector.shape_cast %swap3A_622 : vector<1x16xf32> to vector<16xf32>
        %swap3A_624 = vector.shape_cast %select_n3A_619 : vector<16xf32> to vector<1x16xf32>
        tpu.vector_store %arg8[%swap3A_620, %swap3A_621], %swap3A_624 {strides = array<i32>} : memref<16x512xf32, #tpu.memory_space<vmem>>, vector<1x16xf32>,
        %get3A_625 = arith.index_cast %scan3A_115 : i32 to index
        %get3A_626 = arith.constant 432 : index
        %get3A_627 = tpu.vector_load %arg4[%get3A_625, %get3A_626] {strides = array<i32>} : memref<16x512xf32, #tpu.memory_space<vmem>>, vector<1x16xf32>,
        %get3A_628 = vector.shape_cast %get3A_627 : vector<1x16xf32> to vector<16xf32>
        %gt3A_629 = arith.constant 0.899999976 : f32
        %gt3A_630 = vector.broadcast %gt3A_629 : f32 to vector<16xf32>
        %gt3A_631 = arith.cmpf ogt, %get3A_628, %gt3A_630 : vector<16xf32>
        %get3A_632 = arith.index_cast %scan3A_115 : i32 to index
        %get3A_633 = arith.constant 432 : index
        %get3A_634 = tpu.vector_load %arg6[%get3A_632, %get3A_633] {strides = array<i32>} : memref<16x512xf32, #tpu.memory_space<vmem>>, vector<1x16xf32>,
        %get3A_635 = vector.shape_cast %get3A_634 : vector<1x16xf32> to vector<16xf32>
        %jit3A_636 = arith.constant 0.000000e+00 : f32
        %broadcast_in_dim3A_637 = vector.broadcast %jit3A_636 : f32 to vector<16xf32>
        %select_n3A_638 = arith.select %gt3A_631, %get3A_635, %broadcast_in_dim3A_637 : vector<16xi1>, vector<16xf32>
        %swap3A_639 = arith.index_cast %scan3A_115 : i32 to index
        %swap3A_640 = arith.constant 432 : index
        %swap3A_641 = tpu.vector_load %arg8[%swap3A_639, %swap3A_640] {strides = array<i32>} : memref<16x512xf32, #tpu.memory_space<vmem>>, vector<1x16xf32>,
        %swap3A_642 = vector.shape_cast %swap3A_641 : vector<1x16xf32> to vector<16xf32>
        %swap3A_643 = vector.shape_cast %select_n3A_638 : vector<16xf32> to vector<1x16xf32>
        tpu.vector_store %arg8[%swap3A_639, %swap3A_640], %swap3A_643 {strides = array<i32>} : memref<16x512xf32, #tpu.memory_space<vmem>>, vector<1x16xf32>,
        %get3A_644 = arith.index_cast %scan3A_115 : i32 to index
        %get3A_645 = arith.constant 448 : index
        %get3A_646 = tpu.vector_load %arg4[%get3A_644, %get3A_645] {strides = array<i32>} : memref<16x512xf32, #tpu.memory_space<vmem>>, vector<1x16xf32>,
        %get3A_647 = vector.shape_cast %get3A_646 : vector<1x16xf32> to vector<16xf32>
        %gt3A_648 = arith.constant 0.899999976 : f32
        %gt3A_649 = vector.broadcast %gt3A_648 : f32 to vector<16xf32>
        %gt3A_650 = arith.cmpf ogt, %get3A_647, %gt3A_649 : vector<16xf32>
        %get3A_651 = arith.index_cast %scan3A_115 : i32 to index
        %get3A_652 = arith.constant 448 : index
        %get3A_653 = tpu.vector_load %arg6[%get3A_651, %get3A_652] {strides = array<i32>} : memref<16x512xf32, #tpu.memory_space<vmem>>, vector<1x16xf32>,
        %get3A_654 = vector.shape_cast %get3A_653 : vector<1x16xf32> to vector<16xf32>
        %jit3A_655 = arith.constant 0.000000e+00 : f32
        %broadcast_in_dim3A_656 = vector.broadcast %jit3A_655 : f32 to vector<16xf32>
        %select_n3A_657 = arith.select %gt3A_650, %get3A_654, %broadcast_in_dim3A_656 : vector<16xi1>, vector<16xf32>
        %swap3A_658 = arith.index_cast %scan3A_115 : i32 to index
        %swap3A_659 = arith.constant 448 : index
        %swap3A_660 = tpu.vector_load %arg8[%swap3A_658, %swap3A_659] {strides = array<i32>} : memref<16x512xf32, #tpu.memory_space<vmem>>, vector<1x16xf32>,
        %swap3A_661 = vector.shape_cast %swap3A_660 : vector<1x16xf32> to vector<16xf32>
        %swap3A_662 = vector.shape_cast %select_n3A_657 : vector<16xf32> to vector<1x16xf32>
        tpu.vector_store %arg8[%swap3A_658, %swap3A_659], %swap3A_662 {strides = array<i32>} : memref<16x512xf32, #tpu.memory_space<vmem>>, vector<1x16xf32>,
        %get3A_663 = arith.index_cast %scan3A_115 : i32 to index
        %get3A_664 = arith.constant 464 : index
        %get3A_665 = tpu.vector_load %arg4[%get3A_663, %get3A_664] {strides = array<i32>} : memref<16x512xf32, #tpu.memory_space<vmem>>, vector<1x16xf32>,
        %get3A_666 = vector.shape_cast %get3A_665 : vector<1x16xf32> to vector<16xf32>
        %gt3A_667 = arith.constant 0.899999976 : f32
        %gt3A_668 = vector.broadcast %gt3A_667 : f32 to vector<16xf32>
        %gt3A_669 = arith.cmpf ogt, %get3A_666, %gt3A_668 : vector<16xf32>
        %get3A_670 = arith.index_cast %scan3A_115 : i32 to index
        %get3A_671 = arith.constant 464 : index
        %get3A_672 = tpu.vector_load %arg6[%get3A_670, %get3A_671] {strides = array<i32>} : memref<16x512xf32, #tpu.memory_space<vmem>>, vector<1x16xf32>,
        %get3A_673 = vector.shape_cast %get3A_672 : vector<1x16xf32> to vector<16xf32>
        %jit3A_674 = arith.constant 0.000000e+00 : f32
        %broadcast_in_dim3A_675 = vector.broadcast %jit3A_674 : f32 to vector<16xf32>
        %select_n3A_676 = arith.select %gt3A_669, %get3A_673, %broadcast_in_dim3A_675 : vector<16xi1>, vector<16xf32>
        %swap3A_677 = arith.index_cast %scan3A_115 : i32 to index
        %swap3A_678 = arith.constant 464 : index
        %swap3A_679 = tpu.vector_load %arg8[%swap3A_677, %swap3A_678] {strides = array<i32>} : memref<16x512xf32, #tpu.memory_space<vmem>>, vector<1x16xf32>,
        %swap3A_680 = vector.shape_cast %swap3A_679 : vector<1x16xf32> to vector<16xf32>
        %swap3A_681 = vector.shape_cast %select_n3A_676 : vector<16xf32> to vector<1x16xf32>
        tpu.vector_store %arg8[%swap3A_677, %swap3A_678], %swap3A_681 {strides = array<i32>} : memref<16x512xf32, #tpu.memory_space<vmem>>, vector<1x16xf32>,
        %get3A_682 = arith.index_cast %scan3A_115 : i32 to index
        %get3A_683 = arith.constant 480 : index
        %get3A_684 = tpu.vector_load %arg4[%get3A_682, %get3A_683] {strides = array<i32>} : memref<16x512xf32, #tpu.memory_space<vmem>>, vector<1x16xf32>,
        %get3A_685 = vector.shape_cast %get3A_684 : vector<1x16xf32> to vector<16xf32>
        %gt3A_686 = arith.constant 0.899999976 : f32
        %gt3A_687 = vector.broadcast %gt3A_686 : f32 to vector<16xf32>
        %gt3A_688 = arith.cmpf ogt, %get3A_685, %gt3A_687 : vector<16xf32>
        %get3A_689 = arith.index_cast %scan3A_115 : i32 to index
        %get3A_690 = arith.constant 480 : index
        %get3A_691 = tpu.vector_load %arg6[%get3A_689, %get3A_690] {strides = array<i32>} : memref<16x512xf32, #tpu.memory_space<vmem>>, vector<1x16xf32>,
        %get3A_692 = vector.shape_cast %get3A_691 : vector<1x16xf32> to vector<16xf32>
        %jit3A_693 = arith.constant 0.000000e+00 : f32
        %broadcast_in_dim3A_694 = vector.broadcast %jit3A_693 : f32 to vector<16xf32>
        %select_n3A_695 = arith.select %gt3A_688, %get3A_692, %broadcast_in_dim3A_694 : vector<16xi1>, vector<16xf32>
        %swap3A_696 = arith.index_cast %scan3A_115 : i32 to index
        %swap3A_697 = arith.constant 480 : index
        %swap3A_698 = tpu.vector_load %arg8[%swap3A_696, %swap3A_697] {strides = array<i32>} : memref<16x512xf32, #tpu.memory_space<vmem>>, vector<1x16xf32>,
        %swap3A_699 = vector.shape_cast %swap3A_698 : vector<1x16xf32> to vector<16xf32>
        %swap3A_700 = vector.shape_cast %select_n3A_695 : vector<16xf32> to vector<1x16xf32>
        tpu.vector_store %arg8[%swap3A_696, %swap3A_697], %swap3A_700 {strides = array<i32>} : memref<16x512xf32, #tpu.memory_space<vmem>>, vector<1x16xf32>,
        %get3A_701 = arith.index_cast %scan3A_115 : i32 to index
        %get3A_702 = arith.constant 496 : index
        %get3A_703 = tpu.vector_load %arg4[%get3A_701, %get3A_702] {strides = array<i32>} : memref<16x512xf32, #tpu.memory_space<vmem>>, vector<1x16xf32>,
        %get3A_704 = vector.shape_cast %get3A_703 : vector<1x16xf32> to vector<16xf32>
        %gt3A_705 = arith.constant 0.899999976 : f32
        %gt3A_706 = vector.broadcast %gt3A_705 : f32 to vector<16xf32>
        %gt3A_707 = arith.cmpf ogt, %get3A_704, %gt3A_706 : vector<16xf32>
        %get3A_708 = arith.index_cast %scan3A_115 : i32 to index
        %get3A_709 = arith.constant 496 : index
        %get3A_710 = tpu.vector_load %arg6[%get3A_708, %get3A_709] {strides = array<i32>} : memref<16x512xf32, #tpu.memory_space<vmem>>, vector<1x16xf32>,
        %get3A_711 = vector.shape_cast %get3A_710 : vector<1x16xf32> to vector<16xf32>
        %jit3A_712 = arith.constant 0.000000e+00 : f32
        %broadcast_in_dim3A_713 = vector.broadcast %jit3A_712 : f32 to vector<16xf32>
        %select_n3A_714 = arith.select %gt3A_707, %get3A_711, %broadcast_in_dim3A_713 : vector<16xi1>, vector<16xf32>
        %swap3A_715 = arith.index_cast %scan3A_115 : i32 to index
        %swap3A_716 = arith.constant 496 : index
        %swap3A_717 = tpu.vector_load %arg8[%swap3A_715, %swap3A_716] {strides = array<i32>} : memref<16x512xf32, #tpu.memory_space<vmem>>, vector<1x16xf32>,
        %swap3A_718 = vector.shape_cast %swap3A_717 : vector<1x16xf32> to vector<16xf32>
        %swap3A_719 = vector.shape_cast %select_n3A_714 : vector<16xf32> to vector<1x16xf32>
        tpu.vector_store %arg8[%swap3A_715, %swap3A_716], %swap3A_719 {strides = array<i32>} : memref<16x512xf32, #tpu.memory_space<vmem>>, vector<1x16xf32>,
        %scan3A_720 = arith.constant 0 : i32
        scf.yield %scan3A_720 : i32
      }
      %scan3A_103 = arith.constant 16 : i32
      %sub3A_104 = arith.constant 0 : i32
      %sub3A_105 = arith.subi %add3A_47, %sub3A_104 : i32
      %add3A_106 = arith.constant 1 : i32
      %add3A_107 = arith.addi %sub3A_105, %add3A_106 : i32
      %dma_start3A_108 = arith.constant 0 : i32
      %dma_start3A_109 = tpu.memref_slice %arg3[%add3A_107, %mul3A_2, %dma_start3A_108] : memref<28x512x512xf32, #tpu.memory_space<hbm>> -> memref<1x16x512xf32, #tpu.memory_space<hbm>>
      %dma_start3A_110 = tpu.memref_squeeze %dma_start3A_109 : memref<1x16x512xf32, #tpu.memory_space<hbm>> -> memref<16x512xf32, #tpu.memory_space<hbm>>
      %dma_start3A_111 = arith.constant 0 : i32
      %dma_start3A_112 = tpu.memref_slice %arg3[%add3A_107, %mul3A_2, %dma_start3A_111] : memref<28x512x512xf32, #tpu.memory_space<hbm>> -> memref<1x16x512xf32, #tpu.memory_space<hbm>>
      %dma_start3A_113 = tpu.memref_squeeze %dma_start3A_112 : memref<1x16x512xf32, #tpu.memory_space<hbm>> -> memref<16x512xf32, #tpu.memory_space<hbm>>
      tpu.enqueue_dma source(%arg8 : memref<16x512xf32, #tpu.memory_space<vmem>>) target(%dma_start3A_113 : memref<16x512xf32, #tpu.memory_space<hbm>>) target_semaphore(%arg13 : memref<!tpu.dma_semaphore, #tpu.memory_space<semaphore_mem>>)
      %scan3A_114 = arith.constant 0 : i32
      scf.yield %scan3A_114 : i32
    }
    %scan3A_27 = arith.constant 14 : i32
    %dma_wait3A_28 = arith.constant 26 : i32
    %dma_wait3A_29 = arith.constant 0 : i32
    %dma_wait3A_30 = tpu.memref_slice %arg3[%dma_wait3A_28, %mul3A_2, %dma_wait3A_29] : memref<28x512x512xf32, #tpu.memory_space<hbm>> -> memref<1x16x512xf32, #tpu.memory_space<hbm>>
    %dma_wait3A_31 = tpu.memref_squeeze %dma_wait3A_30 : memref<1x16x512xf32, #tpu.memory_space<hbm>> -> memref<16x512xf32, #tpu.memory_space<hbm>>
    %dma_wait3A_32 = arith.constant 0 : i32
    %dma_wait3A_33 = tpu.memref_slice %arg3[%dma_wait3A_28, %mul3A_2, %dma_wait3A_32] : memref<28x512x512xf32, #tpu.memory_space<hbm>> -> memref<1x16x512xf32, #tpu.memory_space<hbm>>
    %dma_wait3A_34 = tpu.memref_squeeze %dma_wait3A_33 : memref<1x16x512xf32, #tpu.memory_space<hbm>> -> memref<16x512xf32, #tpu.memory_space<hbm>>
    tpu.wait_dma2 semaphore(%arg12 : memref<!tpu.dma_semaphore, #tpu.memory_space<semaphore_mem>>) src(%arg7 : memref<16x512xf32, #tpu.memory_space<vmem>>) dst(%dma_wait3A_34 : memref<16x512xf32, #tpu.memory_space<hbm>>)
    %dma_wait3A_35 = arith.constant 27 : i32
    %dma_wait3A_36 = arith.constant 0 : i32
    %dma_wait3A_37 = tpu.memref_slice %arg3[%dma_wait3A_35, %mul3A_2, %dma_wait3A_36] : memref<28x512x512xf32, #tpu.memory_space<hbm>> -> memref<1x16x512xf32, #tpu.memory_space<hbm>>
    %dma_wait3A_38 = tpu.memref_squeeze %dma_wait3A_37 : memref<1x16x512xf32, #tpu.memory_space<hbm>> -> memref<16x512xf32, #tpu.memory_space<hbm>>
    %dma_wait3A_39 = arith.constant 0 : i32
    %dma_wait3A_40 = tpu.memref_slice %arg3[%dma_wait3A_35, %mul3A_2, %dma_wait3A_39] : memref<28x512x512xf32, #tpu.memory_space<hbm>> -> memref<1x16x512xf32, #tpu.memory_space<hbm>>
    %dma_wait3A_41 = tpu.memref_squeeze %dma_wait3A_40 : memref<1x16x512xf32, #tpu.memory_space<hbm>> -> memref<16x512xf32, #tpu.memory_space<hbm>>
    tpu.wait_dma2 semaphore(%arg13 : memref<!tpu.dma_semaphore, #tpu.memory_space<semaphore_mem>>) src(%arg8 : memref<16x512xf32, #tpu.memory_space<vmem>>) dst(%dma_wait3A_41 : memref<16x512xf32, #tpu.memory_space<hbm>>)
    return
  }
}

module attributes {stable_mosaic.version = 14 : i64} {
  func.func @_tc_select_block(%arg0: i32, %arg1: memref<4x512x512xf32, #tpu.memory_space<vmem>>, %arg2: memref<1x512x512xf32, #tpu.memory_space<vmem>>, %arg3: memref<4x512x512xf32, #tpu.memory_space<vmem>>) attributes {dimension_semantics = [#tpu.dimension_semantics<arbitrary>], iteration_bounds = array<i64: 17>, scalar_prefetch = 0 : i64, scratch_operands = 0 : i64, tpu.core_type = #tpu.core_type<tc>, window_params = [{transform_indices = @transform_0, window_bounds = array<i64: 4, 512, 512>}, {transform_indices = @transform_1, window_bounds = array<i64: 1, 512, 512>}, {transform_indices = @transform_2, window_bounds = array<i64: 4, 512, 512>}]} {
    %get3A = arith.constant 0 : index
    %get3A_0 = arith.constant 0 : index
    %get3A_1 = arith.constant 0 : index
    %get3A_2 = vector.load %arg2[%get3A, %get3A_0, %get3A_1] : memref<1x512x512xf32, #tpu.memory_space<vmem>>, vector<1x512x512xf32>
    %gt3A = arith.constant 0.899999976 : f32
    %gt3A_3 = vector.broadcast %gt3A : f32 to vector<1x512x512xf32>
    %gt3A_4 = arith.cmpf ogt, %get3A_2, %gt3A_3 : vector<1x512x512xf32>
    %get3A_5 = arith.constant 0 : index
    %get3A_6 = arith.constant 0 : index
    %get3A_7 = arith.constant 0 : index
    %get3A_8 = vector.load %arg1[%get3A_5, %get3A_6, %get3A_7] : memref<4x512x512xf32, #tpu.memory_space<vmem>>, vector<4x512x512xf32>
    %jit3A = arith.constant 0.000000e+00 : f32
    %broadcast_in_dim3A = vector.shape_cast %gt3A_4 : vector<1x512x512xi1> to vector<1x512x512xi1>
    %broadcast_in_dim3A_9 = vector.broadcast %broadcast_in_dim3A : vector<1x512x512xi1> to vector<4x512x512xi1>
    %broadcast_in_dim3A_10 = vector.broadcast %jit3A : f32 to vector<4x512x512xf32>
    %select_n3A = arith.select %broadcast_in_dim3A_9, %get3A_8, %broadcast_in_dim3A_10 : vector<4x512x512xi1>, vector<4x512x512xf32>
    %swap3A = arith.constant 0 : index
    %swap3A_11 = arith.constant 0 : index
    %swap3A_12 = arith.constant 0 : index
    %swap3A_13 = vector.load %arg3[%swap3A, %swap3A_11, %swap3A_12] : memref<4x512x512xf32, #tpu.memory_space<vmem>>, vector<4x512x512xf32>
    tpu.vector_store %arg3[%swap3A, %swap3A_11, %swap3A_12], %select_n3A {strides = array<i32>} : memref<4x512x512xf32, #tpu.memory_space<vmem>>, vector<4x512x512xf32>,
    return
  }
  func.func @transform_0(%arg0: i32) -> (i32, i32, i32) {
    %add3A = arith.constant 7 : i32
    %add3A_0 = arith.addi %arg0, %add3A : i32
    %c0_i32 = arith.constant 0 : i32
    %c0_i32_1 = arith.constant 0 : i32
    %c0_i32_2 = arith.constant 0 : i32
    return %add3A_0, %c0_i32, %c0_i32_1 : i32, i32, i32
  }
  func.func @transform_1(%arg0: i32) -> (i32, i32, i32) {
    %c95_i32 = arith.constant 95 : i32
    %c0_i32 = arith.constant 0 : i32
    %c0_i32_0 = arith.constant 0 : i32
    %c0_i32_1 = arith.constant 0 : i32
    return %c95_i32, %c0_i32, %c0_i32_0 : i32, i32, i32
  }
  func.func @transform_2(%arg0: i32) -> (i32, i32, i32) {
    %c0_i32 = arith.constant 0 : i32
    %c0_i32_0 = arith.constant 0 : i32
    %c0_i32_1 = arith.constant 0 : i32
    return %arg0, %c0_i32, %c0_i32_0 : i32, i32, i32
  }
}

</mosaic_0001>

<sc_bundles>
// kernel: kernel.4.cloned.1.call-start
scs
__scs_entry_jumppad:
0x0: {  	(pc) =	sbr.rel $0x88, $3  }
0x1: {  	(tag) =	ssettag $0x0;
	lr =	simm.s32 $0x1  }
0x2: {  	[smem:$0x3FA0] =	sst lr;
	_ =	strace $0xD0000000  }
0x3: {  	_ = 	snop  }
0x4: {  	_ = 	snop  }
0x5: {  	_ = 	snop  }
0x6: {  	_ = 	snop  }
0x7: {  	_ = 	snop  }
__scs_overlays_trampoline_lowered:
0x8: {  	[smem:$0x3FAF] =	sst s0  }
0x9: {  	[smem:$0x3FB0] =	sst s1  }
0xa: {  	[smem:$0x3FB1] =	sst s2  }
0xb: {  	[smem:$0x3FB2] =	sst s3  }
0xc: {  	[smem:$0x3FB3] =	sst s4  }
0xd: {  	[smem:$0x3FB4] =	sst s5  }
0xe: {  	[smem:$0x3FB5] =	sst s6  }
0xf: {  	[smem:$0x3FB6] =	sst s7  }
0x10: {  	[smem:$0x3FB7] =	sst s8  }
0x11: {  	[smem:$0x3FB8] =	sst s9;
	s0 =	simm.s32 @!p0 $0x0  }
0x12: {  	s1 =	sld [smem:$0x3F9E];
	s0 =	simm.s32 @p0 $0x1  }
0x13: {  	[smem:$0x3FB9] =	sst s0;
	s0 =	simm.s32 @!p1 $0x0  }
0x14: {  	s2 =	sld [smem:$0x3F9D];
	s0 =	simm.s32 @p1 $0x1  }
0x15: {  	[smem:$0x3FBA] =	sst s0;
	s0 =	simm.s32 @!p2 $0x0  }
0x16: {  	s3 =	sld [smem:$0x3FDB];
	s0 =	simm.s32 @p2 $0x1  }
0x17: {  	s4 =	simm.s32 $0x1BF5;
	[smem:$0x3FBC] =	sst s0  }
0x18: {  	s0 =	sld [smem:$0x3F9F];
	_ =	swait.ge [sflag:s4], $0x0  }
0x19: {  	s7 =	sld [smem:$0x3FA0]  }
0x1a: {  	s8 =	sadd.s32 $0xFFFFE003, lr  }
0x1b: {  	s9 =	sadd.s32 $0xFFFFFEF7, lr;
	s5 =	simm.s32 $0xFFFFFFFF;
	p2 =	slt.u32 s8, $0xFFFFF086  }
0x1c: {  	p1 =	slt.u32 s9, $0xF7A;
	s5 =	simm.s32 @!p2 $0x0  }
0x1d: {  	s5 =	simm.s32 @p1 $0x1;
	p0 =	seq.s32 s7, s2  }
0x1e: {  	s7 =	smul.u32 @!p0 $0xF7A, s2;
	p2 =	seq.s32 @!p0 s5, $0x0  }
0x1f: {  	s9 =	smul.u32 $0xF7A, s1;
	s8 =	simm.s32 @!p0 $0x1BF5;
	p2 =	por !p2, p0  }
0x20: {  	[sflag:s8] =	ssyncset.s32 @!p0 $0xFFFFF086;
	s6 =	sadd.s32 @!p0 s3, s7;
	s7 =	simm.s32 @!p0 $0x108  }
0x21: {  	s3 =	sadd.s32 s3, s9;
	s6 =	sadd.s32 @!p0 $0x88, s6;
	s7 =	simm.s32 @p2 $0x1082  }
0x22: {  	[simem:s7], [sflag:s8] =	dma.local @!p0 [hbm:s6], $0xF7A  }
0x23: {  	s9 =	sor.u32 $0xD0000000, s2;
	s6 =	simm.s32 $0x108;
	_ =	swait.ge @!p0 [sflag:s8], $0x0  }
0x24: {  	s3 =	sadd.s32 $0x88, s3;
	s6 =	simm.s32 @!p1 $0x1082;
	[sflag:s4] =	ssyncset.s32 $0xFFFFF086  }
0x25: {  	[simem:s6], [sflag:s4] =	dma.local [hbm:s3], $0xF7A  }
0x26: {  	[smem:$0x3FA0] =	sst s1;
	(tag) =	ssettag s2;
	_ =	strace s9  }
0x27: {  	s1 =	sld [smem:$0x3FB0]  }
0x28: {  	s2 =	sld [smem:$0x3FB1]  }
0x29: {  	s4 =	sld [smem:$0x3FB3]  }
0x2a: {  	p0 =	seq.s32 s5, $0x0;
	s5 =	sld [smem:$0x3FB4]  }
0x2b: {  	s6 =	sld [smem:$0x3FB5]  }
0x2c: {  	s7 =	sld [smem:$0x3FB6]  }
0x2d: {  	s3 =	simm.s32 $0x108;
	s8 =	sld [smem:$0x3FB7]  }
0x2e: {  	s3 =	simm.s32 @!p0 $0x1082;
	s9 =	sld [smem:$0x3FB8]  }
0x2f: {  	lr =	sadd.s32 s0, s3;
	s0 =	sld [smem:$0x3FAF]  }
0x30: {  	s3 =	sld [smem:$0x3FB2]  }
0x31: {  	[smem:$0x3FBB] =	sst s10  }
0x32: {  	s10 =	sld [smem:$0x3FB9];
	_ =	sdelay $0x3  }
0x33: {  	p0 =	seq.s32 s10, $0x1;
	s10 =	sld [smem:$0x3FBB];
	_ =	sdelay $0x3  }
0x34: {  	[smem:$0x3FBB] =	sst s10  }
0x35: {  	s10 =	sld [smem:$0x3FBA];
	_ =	sdelay $0x3  }
0x36: {  	p1 =	seq.s32 s10, $0x1;
	s10 =	sld [smem:$0x3FBB];
	_ =	sdelay $0x3  }
0x37: {  	[smem:$0x3FBB] =	sst s10  }
0x38: {  	s10 =	sld [smem:$0x3FBC]  }
0x39: {  	_ = 	snop;
	(pc) =	sbr.ind lr, $3  }
0x3a: {  	_ = 	snop  }
0x3b: {  	_ = 	snop  }
0x3c: {  	p2 =	seq.s32 s10, $0x1;
	s10 =	sld [smem:$0x3FBB]  }
0x3d: {  	_ =	shalt  }
0x3e: {  	_ =	shalt  }
0x3f: {  	_ =	shalt  }
0x40: {  	_ =	shalt  }
0x41: {  	_ =	shalt  }
0x42: {  	_ =	shalt  }
0x43: {  	_ =	shalt  }
0x44: {  	_ =	shalt  }
0x45: {  	_ =	shalt  }
0x46: {  	_ =	shalt  }
0x47: {  	_ =	shalt  }
0x48: {  	_ =	shalt  }
0x49: {  	_ =	shalt  }
0x4a: {  	_ =	shalt  }
0x4b: {  	_ =	shalt  }
0x4c: {  	_ =	shalt  }
0x4d: {  	_ =	shalt  }
0x4e: {  	_ =	shalt  }
0x4f: {  	_ =	shalt  }
0x50: {  	_ =	shalt  }
0x51: {  	_ =	shalt  }
0x52: {  	_ =	shalt  }
0x53: {  	_ =	shalt  }
0x54: {  	_ =	shalt  }
0x55: {  	_ =	shalt  }
0x56: {  	_ =	shalt  }
0x57: {  	_ =	shalt  }
0x58: {  	_ =	shalt  }
0x59: {  	_ =	shalt  }
0x5a: {  	_ =	shalt  }
0x5b: {  	_ =	shalt  }
0x5c: {  	_ =	shalt  }
0x5d: {  	_ =	shalt  }
0x5e: {  	_ =	shalt  }
0x5f: {  	_ =	shalt  }
0x60: {  	_ =	shalt  }
0x61: {  	_ =	shalt  }
0x62: {  	_ =	shalt  }
0x63: {  	_ =	shalt  }
0x64: {  	_ =	shalt  }
0x65: {  	_ =	shalt  }
0x66: {  	_ =	shalt  }
0x67: {  	_ =	shalt  }
0x68: {  	_ =	shalt  }
0x69: {  	_ =	shalt  }
0x6a: {  	_ =	shalt  }
0x6b: {  	_ =	shalt  }
0x6c: {  	_ =	shalt  }
0x6d: {  	_ =	shalt  }
0x6e: {  	_ =	shalt  }
0x6f: {  	_ =	shalt  }
0x70: {  	_ =	shalt  }
0x71: {  	_ =	shalt  }
0x72: {  	_ =	shalt  }
0x73: {  	_ =	shalt  }
0x74: {  	_ =	shalt  }
0x75: {  	_ =	shalt  }
0x76: {  	_ =	shalt  }
0x77: {  	_ =	shalt  }
0x78: {  	_ =	shalt  }
0x79: {  	_ =	shalt  }
0x7a: {  	_ =	shalt  }
0x7b: {  	_ =	shalt  }
0x7c: {  	_ =	shalt  }
0x7d: {  	_ =	shalt  }
0x7e: {  	_ =	shalt  }
0x7f: {  	_ =	shalt  }
0x80: {  	_ =	shalt  }
0x81: {  	_ =	shalt  }
0x82: {  	_ =	shalt  }
0x83: {  	_ =	shalt  }
0x84: {  	_ =	shalt  }
0x85: {  	_ =	shalt  }
0x86: {  	_ =	shalt  }
0x87: {  	_ =	shalt  }
.Lfunc_end0:
.L_simem_size_0:
called_computation_lowered:
.L_overlay_start_0:
0x88: {  	s2 =	sld [smem:$0x3FD9]  }
0x89: {  	s3 =	sld [smem:$0x3FFE];
	_ =	sdelay $0x1  }
0x8a: {  	s1 =	srdreg.scid  }
0x8b: {  	s0 =	sand.u32 $0x1, s1  }
0x8c: {  	s17 =	sshll.u32 s0, $0xA;
	s2 =	sadd.s32 s3, s2  }
0x8d: {  	s2 =	sadd.s32 s2, s17  }
0x8e: {  	[smem:$0x3FC7] =	sst s2  }
0x8f: {  	_ = 	snop  }
0x90: {  	s2 =	sld [smem:$0x3FC9];
	(tm) =	ssettm $0x1  }
0x91: {  	s18 =	sld [smem:$0x3FFB];
	_ =	sdelay $0x3  }
0x92: {  	_ =	strace s18  }
0x93: {  	s3 =	sld [smem:$0x3FFC];
	_ =	sdelay $0x3  }
0x94: {  	_ =	strace s3  }
0x95: {  	s3 =	sld [smem:$0x3FFD];
	_ =	sdelay $0x3  }
0x96: {  	_ =	strace s3  }
0x97: {  	_ =	strace $0x8FFFFFFF  }
0x98: {  	s19 =	sld [smem:$0x3FDB];
	_ =	sdelay $0x1  }
0x99: {  	s4 =	simm.s32 $_scs_section_size  }
0x9a: {  	s5 =	simm.s32 $_size__tile_overlayer_lowered;
	s6 =	simm.s32 $_tile_overlayer_lowered  }
0x9b: {  	s22 =	simm.s32 $0x1BFF;
	s21 =	sshll.u32 s6, $0x1;
	s3 =	sadd.s32 s4, s19  }
0x9c: {  	s7 =	simm.s32 $0x0;
	s20 =	sshll.u32 s5, $0x1;
	s5 =	sadd.s32 s21, s3  }
0x9d: {  	[timem:s7], [sflag:s22] =	dma.local [hbm:s5], s20  }
0x9e: {  	_ =	swait.ge [sflag:s22], s20  }
0x9f: {  	s4 =	ssub.s32 $0x0, s20;
	[sflag:s22] =	ssyncset.done $0x0  }
0xa0: {  	[sflag:s22] =	ssyncadd.s32 s4;
	_ =	sdelay $0x1  }
0xa1: {  	s23 =	simm.s32 $0x1B8B  }
0xa2: {  	_ =	swait.ge [sflag:s23], $0x1  }
0xa3: {  	[sflag:s23] =	ssyncset.done $0x0  }
0xa4: {  	s25 =	simm.s32 $0x1B8E;
	s24 =	sld [smem:$0x3FFE];
	[sflag:s23] =	ssyncadd.s32 $0xFFFFFFFF  }
0xa5: {  	s26 =	simm.s32 $execute0_lowered;
	[smem:$0x3FD2] =	sst s25  }
0xa6: {  	s5 =	sshll.u32 s26, $0x1;
	_ =	strace $0x80000046;
	[dreg:$0x1] =	wrdreg $0xFFFFFFFF  }
0xa7: {  	s28 =	simm.s32 $_size_execute0_lowered;
	s3 =	sadd.s32 s3, s5;
	[dreg:$0x0] =	wrdreg $0x0  }
0xa8: {  	s5 =	sshll.u32 s28, $0x1;
	[dreg:$0x2] =	wrdreg s3  }
0xa9: {  	[dreg:$0x3] =	wrdreg s5  }
0xaa: {  	[dreg:$0x4] =	wrdreg $0xC0  }
0xab: {  	_ =	task [dreg:s7], $0x5FFFF  }
0xac: {  	[dreg:$0x1] =	wrdreg $0xFFFFFFFF  }
0xad: {  	[dreg:$0x0] =	wrdreg $0x60  }
0xae: {  	[dreg:$0x2] =	wrdreg s2  }
0xaf: {  	[dreg:$0x3] =	wrdreg s24  }
0xb0: {  	[dreg:$0x4] =	wrdreg $0x9  }
0xb1: {  	_ =	task.clear_ibuf [dreg:s7], $0x5FFFF;
	_ =	strace $0x90000046  }
0xb2: {  	s29 =	simm.s32 $0x9;
	_ =	strace $0x80000048  }
0xb3: {  	_ =	swait.ge [sflag:s29], $0x1  }
0xb4: {  	[sflag:s29] =	ssyncadd.s32 $0xFFFFFFFF  }
0xb5: {  	_ =	strace $0x90000048  }
0xb6: {  	_ =	sfence  }
0xb7: {  	s30 =	sld [smem:$0x0];
	_ =	sdelay $0x2  }
0xb8: {  	s31 =	sshll.u32 s1, $0xD;
	s1 =	sshrl.u32 s1, $0x2  }
0xb9: {  	s3 =	sand.u32 $0x4000, s31;
	s1 =	sadd.s32 s1, s30  }
0xba: {  	s0 =	sor.u32 s3, s0;
	s1 =	sshll.u32 s1, $0x11  }
0xbb: {  	s0 =	sor.u32 s1, s0  }
0xbc: {  	s0 =	sadd.s32 $0x8F2B, s0  }
0xbd: {  	[sflag:s0] =	ssyncadd.remote.s32 $0x1  }
0xbe: {  	_ =	sfence.sel $0xFFFF  }
0xbf: {  	[dreg:$0x0] =	wrdreg $0xFFFFFFFF;
	(pc) =	sbr.abs _section_cstart, $3  }
0xc0: {  	[dreg:$0x1] =	wrdreg $0xFFFFFFFF  }
0xc1: {  	_ =	task.clear_ibuf [dreg:s7], $0x2FFFF;
	_ =	strace $0x9FFFFFFF  }
0xc2: {  	(tm) =	ssettm $0x7FFFFFFF  }
0xc3: {  	_ =	shalt  }
tec
execute0_lowered:
.L_overlay_start_1:
0x0: {  	(tag) =	ssettag $0x1  }
0x1: {  	s1 =	srdreg.scid;
	s2 =	rddreg [dreg:$0x0]  }
0x2: {  	s0 =	stileid.u32;
	s6 =	rddreg [dreg:$0x1]  }
0x3: {  	s3 =	simm.s32 $0x0;
	s10 =	simm.s32 $0x1;
	s11 =	simm.s32 $0x2000  }
0x4: {  	s12 =	simm.s32 $0x4000;
	s13 =	simm.s32 $0x2;
	s14 =	simm.s32 $0x6000  }
0x5: {  	s15 =	simm.s32 $0x3;
	s16 =	simm.s32 $0x5;
	s17 =	simm.s32 $0x8000  }
0x6: {  	s18 =	simm.s32 $0x4;
	s19 =	simm.s32 $0x0;
	s5 =	sand.u32 $0x1, s1  }
0x7: {  	s4 =	sshll.u32 s0, $0xE;
	s1 =	rddreg [dreg:$0x2];
	s7 =	sshll.u32 s5, $0xD  }
0x8: {  	[smem:$0x7FF] =	sst s3;
	s30 =	ssub.s32 $0x2, s5;
	s4 =	sor.u32 s7, s4  }
0x9: {  	s6 =	sadd.s32 $0x400, s6;
	s8 =	sshrl.u32 s30, $0x1;
	s31 =	sshrl.u32 s4, $0x3  }
0xa: {  	_ =	strace $0x80000047;
	s9 =	ssub.s32 s30, s8;
	s5 =	sadd.s32 s2, s31  }
0xb: {  	s8 =	sor.u32 $0x80000, s4;
	s9 =	smax.u32 s9, $0x1;
	s7 =	sadd.s32 $0x2F8000, s5  }
.LBB2_1:
0xc: {  	[tilespmem:s3], [sflag:$0x1] =	stream.linear.gather [hbm4b:s7+s3], $0x2000, $0x38;
	[tilespmem:$0xA000] =	vst v63  }
0xd: {  	_ =	swait.ge [sflag:s10], $0x2000  }
0xe: {  	[sflag:s10] =	ssyncset.done $0x0  }
0xf: {  	s20 =	simm.s32 $0x0;
	[sflag:s10] =	ssyncadd.s32 $0xFFFFE000  }
0x10: {  	[tilespmem:s11], [sflag:$0x2] =	stream.linear.gather [hbm4b:s5+s3], $0x2000, $0x38;
	[tilespmem:$0xA000] =	vst v63  }
.LBB2_2:
0x11: {  	s22 =	sshll.u32 s20, $0x13  }
0x12: {  	s21 =	sor.u32 s4, s22  }
0x13: {  	s23 =	sshrl.u32 s21, $0x3  }
0x14: {  	s21 =	sor.u32 $0x8000, s23  }
0x15: {  	s24 =	sadd.s32 s2, s21  }
0x16: {  	[tilespmem:s12], [sflag:$0x3] =	stream.linear.gather [hbm4b:s24+s3], $0x2000, $0x38;
	[tilespmem:$0xA000] =	vst v63  }
0x17: {  	_ =	swait.ge [sflag:s13], $0x2000  }
0x18: {  	p0 =	seq.s32 s20, $0x0;
	[sflag:s13] =	ssyncset.done $0x0  }
0x19: {  	s24 =	simm.s32 @!p0 $0x4;
	[sflag:s13] =	ssyncadd.s32 $0xFFFFE000  }
0x1a: {  	s25 =	simm.s32 $0x0;
	_ =	swait.ge @!p0 [sflag:s24], $0x2000  }
0x1b: {  	s26 =	sand.u32 $0x1000, s25;
	s25 =	sand.u32 $0x380, s25;
	[sflag:s24] =	ssyncset.done @!p0 $0x0  }
0x1c: {  	[sflag:s24] =	ssyncadd.s32 @!p0 $0xFFFFE000;
	s24 =	sor.u32 s25, s26  }
0x1d: {  	v0 =	vld [tilespmem:s24+$0xC70]  }
0x1e: {  	v1 =	vld [tilespmem:s24+$0x2C70]  }
0x1f: {  	v2 =	vld [tilespmem:s24+$0x0]  }
0x20: {  	v3 =	vld [tilespmem:s24+$0x10]  }
0x21: {  	v4 =	vld [tilespmem:s24+$0x20]  }
0x22: {  	v5 =	vld [tilespmem:s24+$0x30]  }
0x23: {  	v6 =	vld [tilespmem:s24+$0x50]  }
0x24: {  	v7 =	vld [tilespmem:s24+$0x70]  }
0x25: {  	v8 =	vld [tilespmem:s24+$0x400]  }
0x26: {  	v9 =	vld [tilespmem:s24+$0x410]  }
0x27: {  	v10 =	vld [tilespmem:s24+$0x420]  }
0x28: {  	v11 =	vld [tilespmem:s24+$0x430]  }
0x29: {  	v12 =	vld [tilespmem:s24+$0x440]  }
0x2a: {  	v13 =	vld [tilespmem:s24+$0x450]  }
0x2b: {  	v14 =	vld [tilespmem:s24+$0x460]  }
0x2c: {  	v15 =	vld [tilespmem:s24+$0x470]  }
0x2d: {  	v16 =	vld [tilespmem:s24+$0x800]  }
0x2e: {  	v17 =	vld [tilespmem:s24+$0x810]  }
0x2f: {  	v18 =	vld [tilespmem:s24+$0x820]  }
0x30: {  	v19 =	vld [tilespmem:s24+$0x830]  }
0x31: {  	v20 =	vld [tilespmem:s24+$0x840]  }
0x32: {  	v21 =	vld [tilespmem:s24+$0x850]  }
0x33: {  	v22 =	vld [tilespmem:s24+$0x860]  }
0x34: {  	v23 =	vld [tilespmem:s24+$0x870]  }
0x35: {  	v24 =	vld [tilespmem:s24+$0xC00]  }
0x36: {  	v25 =	vld [tilespmem:s24+$0xC10]  }
0x37: {  	v26 =	vld [tilespmem:s24+$0xC20]  }
0x38: {  	v27 =	vld [tilespmem:s24+$0xC30]  }
0x39: {  	v28 =	vld [tilespmem:s24+$0xC40]  }
0x3a: {  	v29 =	vld [tilespmem:s24+$0xC50]  }
0x3b: {  	v30 =	vld [tilespmem:s24+$0xC60]  }
0x3c: {  	v31 =	vld [tilespmem:s24+$0x2000]  }
0x3d: {  	v32 =	vld [tilespmem:s24+$0x2010]  }
0x3e: {  	v33 =	vld [tilespmem:s24+$0x2020]  }
0x3f: {  	v34 =	vld [tilespmem:s24+$0x2030]  }
0x40: {  	v35 =	vld [tilespmem:s24+$0x2050]  }
0x41: {  	vm0 =	vgt.f32 v0, $8.999999760e-01;
	v0 =	vld [tilespmem:s24+$0x40]  }
0x42: {  	v1 =	vnsel vm0, $0x0, v1;
	vm0 =	vgt.f32 v2, $8.999999760e-01;
	v2 =	vld [tilespmem:s24+$0x2040]  }
0x43: {  	[tilespmem:s24+$0x6C70] =	vst v1;
	v1 =	vld [tilespmem:s24+$0x60];
	v31 =	vnsel vm0, $0x0, v31;
	vm0 =	vgt.f32 v3, $8.999999760e-01  }
0x44: {  	v63 =	vld [tilespmem:s24+$0x2060];
	[tilespmem:s24+$0x6000] =	vst v31;
	v3 =	vnsel vm0, $0x0, v32;
	vm0 =	vgt.f32 v4, $8.999999760e-01  }
0x45: {  	v4 =	vld [tilespmem:s24+$0x2070];
	[tilespmem:s24+$0x6010] =	vst v3;
	v3 =	vnsel vm0, $0x0, v33;
	vm0 =	vgt.f32 v5, $8.999999760e-01  }
0x46: {  	v5 =	vld [tilespmem:s24+$0x2400];
	[tilespmem:s24+$0x6020] =	vst v3;
	v3 =	vnsel vm0, $0x0, v34;
	vm0 =	vgt.f32 v0, $8.999999760e-01  }
0x47: {  	[tilespmem:s24+$0x6030] =	vst v3;
	v0 =	vnsel vm0, $0x0, v2;
	v2 =	vld [tilespmem:s24+$0x2410];
	vm0 =	vgt.f32 v6, $8.999999760e-01  }
0x48: {  	v3 =	vld [tilespmem:s24+$0x2420];
	[tilespmem:s24+$0x6040] =	vst v0;
	v0 =	vnsel vm0, $0x0, v35;
	vm0 =	vgt.f32 v1, $8.999999760e-01  }
0x49: {  	v1 =	vld [tilespmem:s24+$0x2430];
	[tilespmem:s24+$0x6050] =	vst v0;
	v0 =	vnsel vm0, $0x0, v63;
	vm0 =	vgt.f32 v7, $8.999999760e-01  }
0x4a: {  	[tilespmem:s24+$0x6060] =	vst v0;
	v0 =	vnsel vm0, $0x0, v4;
	v4 =	vld [tilespmem:s24+$0x2440];
	vm0 =	vgt.f32 v8, $8.999999760e-01  }
0x4b: {  	[tilespmem:s24+$0x6070] =	vst v0;
	v0 =	vnsel vm0, $0x0, v5;
	v5 =	vld [tilespmem:s24+$0x2450];
	vm0 =	vgt.f32 v9, $8.999999760e-01  }
0x4c: {  	[tilespmem:s24+$0x6400] =	vst v0;
	v0 =	vnsel vm0, $0x0, v2;
	v2 =	vld [tilespmem:s24+$0x2460];
	vm0 =	vgt.f32 v10, $8.999999760e-01  }
0x4d: {  	[tilespmem:s24+$0x6410] =	vst v0;
	v0 =	vnsel vm0, $0x0, v3;
	v3 =	vld [tilespmem:s24+$0x2470];
	vm0 =	vgt.f32 v11, $8.999999760e-01  }
0x4e: {  	[tilespmem:s24+$0x6420] =	vst v0;
	v0 =	vnsel vm0, $0x0, v1;
	v1 =	vld [tilespmem:s24+$0x2800];
	vm0 =	vgt.f32 v12, $8.999999760e-01  }
0x4f: {  	[tilespmem:s24+$0x6430] =	vst v0;
	v0 =	vnsel vm0, $0x0, v4;
	v4 =	vld [tilespmem:s24+$0x2810];
	vm0 =	vgt.f32 v13, $8.999999760e-01  }
0x50: {  	[tilespmem:s24+$0x6440] =	vst v0;
	v0 =	vnsel vm0, $0x0, v5;
	v5 =	vld [tilespmem:s24+$0x2820];
	vm0 =	vgt.f32 v14, $8.999999760e-01  }
0x51: {  	[tilespmem:s24+$0x6450] =	vst v0;
	v0 =	vnsel vm0, $0x0, v2;
	v2 =	vld [tilespmem:s24+$0x2830];
	vm0 =	vgt.f32 v15, $8.999999760e-01  }
0x52: {  	[tilespmem:s24+$0x6460] =	vst v0;
	v0 =	vnsel vm0, $0x0, v3;
	v3 =	vld [tilespmem:s24+$0x2840];
	vm0 =	vgt.f32 v16, $8.999999760e-01  }
0x53: {  	[tilespmem:s24+$0x6470] =	vst v0;
	v0 =	vnsel vm0, $0x0, v1;
	v1 =	vld [tilespmem:s24+$0x2850];
	vm0 =	vgt.f32 v17, $8.999999760e-01  }
0x54: {  	[tilespmem:s24+$0x6800] =	vst v0;
	v0 =	vnsel vm0, $0x0, v4;
	v4 =	vld [tilespmem:s24+$0x2860];
	vm0 =	vgt.f32 v18, $8.999999760e-01  }
0x55: {  	[tilespmem:s24+$0x6810] =	vst v0;
	v0 =	vnsel vm0, $0x0, v5;
	v5 =	vld [tilespmem:s24+$0x2870];
	vm0 =	vgt.f32 v19, $8.999999760e-01  }
0x56: {  	v6 =	vld [tilespmem:s24+$0x2C00];
	[tilespmem:s24+$0x6820] =	vst v0;
	v0 =	vnsel vm0, $0x0, v2;
	vm0 =	vgt.f32 v20, $8.999999760e-01  }
0x57: {  	vm6 =	vgt.f32 v24, $8.999999760e-01;
	[tilespmem:s24+$0x6830] =	vst v0;
	v2 =	vnsel vm0, $0x0, v3;
	v0 =	vld [tilespmem:s24+$0x2C10];
	vm0 =	vgt.f32 v21, $8.999999760e-01  }
0x58: {  	vm5 =	vgt.f32 v25, $8.999999760e-01;
	[tilespmem:s24+$0x6840] =	vst v2;
	v2 =	vnsel vm0, $0x0, v1;
	v1 =	vld [tilespmem:s24+$0x2C20];
	vm0 =	vgt.f32 v22, $8.999999760e-01  }
0x59: {  	s31 =	simm.s32 $0x200;
	vm4 =	vgt.f32 v26, $8.999999760e-01;
	[tilespmem:s24+$0x6850] =	vst v2;
	v3 =	vnsel vm0, $0x0, v4;
	v2 =	vld [tilespmem:s24+$0x2C30];
	vm0 =	vgt.f32 v23, $8.999999760e-01  }
0x5a: {  	s28 =	sand.u32 $0x1000, s31;
	s25 =	simm.s32 $0x80;
	vm3 =	vgt.f32 v27, $8.999999760e-01;
	vm2 =	vgt.f32 v28, $8.999999760e-01;
	[tilespmem:s24+$0x6860] =	vst v3;
	v4 =	vnsel vm0, $0x0, v5;
	v3 =	vld [tilespmem:s24+$0x2C40]  }
0x5b: {  	s26 =	simm.s32 $0x400;
	s29 =	sand.u32 $0x380, s25;
	vm1 =	vgt.f32 v29, $8.999999760e-01;
	vm0 =	vgt.f32 v30, $8.999999760e-01;
	v5 =	vnsel vm6, $0x0, v6;
	[tilespmem:s24+$0x6870] =	vst v4;
	v4 =	vld [tilespmem:s24+$0x2C50]  }
.LBB2_3:
0x5c: {  	s28 =	sor.u32 s29, s28;
	[tilespmem:s24+$0x6C00] =	vst v5;
	v5 =	vld [tilespmem:s24+$0x2C60];
	v0 =	vnsel vm5, $0x0, v0  }
0x5d: {  	v6 =	vld [tilespmem:s28+$0xC70];
	[tilespmem:s24+$0x6C10] =	vst v0;
	v0 =	vnsel vm4, $0x0, v1  }
0x5e: {  	v1 =	vld [tilespmem:s28+$0x2C70];
	[tilespmem:s24+$0x6C20] =	vst v0;
	v0 =	vnsel vm3, $0x0, v2  }
0x5f: {  	v2 =	vld [tilespmem:s28+$0x0];
	[tilespmem:s24+$0x6C30] =	vst v0;
	v0 =	vnsel vm2, $0x0, v3  }
0x60: {  	v3 =	vld [tilespmem:s28+$0x10];
	[tilespmem:s24+$0x6C40] =	vst v0;
	v0 =	vnsel vm1, $0x0, v4  }
0x61: {  	v4 =	vld [tilespmem:s28+$0x20];
	[tilespmem:s24+$0x6C50] =	vst v0;
	v0 =	vnsel vm0, $0x0, v5  }
0x62: {  	v5 =	vld [tilespmem:s28+$0x30];
	[tilespmem:s24+$0x6C60] =	vst v0;
	s24 =	smov.u32 s28  }
0x63: {  	vm0 =	vgt.f32 v6, $8.999999760e-01;
	v0 =	vld [tilespmem:s24+$0x40]  }
0x64: {  	v1 =	vnsel vm0, $0x0, v1;
	vm6 =	vgt.f32 v2, $8.999999760e-01;
	v2 =	vld [tilespmem:s24+$0x50]  }
0x65: {  	[tilespmem:s24+$0x6C70] =	vst v1;
	v1 =	vld [tilespmem:s24+$0x60]  }
0x66: {  	vm7 =	vgt.f32 v3, $8.999999760e-01;
	v3 =	vld [tilespmem:s24+$0x70]  }
0x67: {  	vm8 =	vgt.f32 v4, $8.999999760e-01;
	v4 =	vld [tilespmem:s24+$0x400]  }
0x68: {  	vm10 =	vgt.f32 v0, $8.999999760e-01;
	v0 =	vld [tilespmem:s24+$0x410]  }
0x69: {  	vm11 =	vgt.f32 v2, $8.999999760e-01;
	v2 =	vld [tilespmem:s24+$0x420]  }
0x6a: {  	vm12 =	vgt.f32 v1, $8.999999760e-01;
	v1 =	vld [tilespmem:s24+$0x430]  }
0x6b: {  	vm13 =	vgt.f32 v3, $8.999999760e-01;
	v3 =	vld [tilespmem:s24+$0x440]  }
0x6c: {  	vm14 =	vgt.f32 v4, $8.999999760e-01;
	v4 =	vld [tilespmem:s24+$0x450]  }
0x6d: {  	vm15 =	vgt.f32 v0, $8.999999760e-01;
	v0 =	vld [tilespmem:s24+$0x460]  }
0x6e: {  	vm0 =	vgt.f32 v2, $8.999999760e-01;
	v2 =	vimm.s32 $0x0  }
0x6f: {  	v2 =	vsel vm0, $0xFFFFFFFF, v2;
	vm0 =	vgt.f32 v1, $8.999999760e-01;
	v1 =	vimm.s32 $0x0  }
0x70: {  	[tilespmem:$0x1FF10] =	vst v2;
	v2 =	vld [tilespmem:s24+$0x470];
	v1 =	vsel vm0, $0xFFFFFFFF, v1;
	vm0 =	vgt.f32 v3, $8.999999760e-01;
	v3 =	vimm.s32 $0x0  }
0x71: {  	[tilespmem:$0x1FF20] =	vst v1;
	v1 =	vld [tilespmem:s24+$0x800];
	v3 =	vsel vm0, $0xFFFFFFFF, v3;
	vm0 =	vgt.f32 v4, $8.999999760e-01;
	v4 =	vimm.s32 $0x0  }
0x72: {  	[tilespmem:$0x1FF30] =	vst v3;
	v3 =	vld [tilespmem:s24+$0x810];
	v4 =	vsel vm0, $0xFFFFFFFF, v4;
	vm0 =	vgt.f32 v0, $8.999999760e-01;
	v0 =	vimm.s32 $0x0  }
0x73: {  	[tilespmem:$0x1FF40] =	vst v4;
	v4 =	vld [tilespmem:s24+$0x820];
	v0 =	vsel vm0, $0xFFFFFFFF, v0  }
0x74: {  	[tilespmem:$0x1FF50] =	vst v0;
	v0 =	vld [tilespmem:s24+$0x830]  }
0x75: {  	vm0 =	vgt.f32 v2, $8.999999760e-01;
	v2 =	vimm.s32 $0x0  }
0x76: {  	v2 =	vsel vm0, $0xFFFFFFFF, v2;
	vm0 =	vgt.f32 v1, $8.999999760e-01;
	v1 =	vimm.s32 $0x0  }
0x77: {  	[tilespmem:$0x1FF60] =	vst v2;
	v2 =	vld [tilespmem:s24+$0x840];
	v1 =	vsel vm0, $0xFFFFFFFF, v1;
	vm0 =	vgt.f32 v3, $8.999999760e-01;
	v3 =	vimm.s32 $0x0  }
0x78: {  	[tilespmem:$0x1FF70] =	vst v1;
	v1 =	vld [tilespmem:s24+$0x850];
	v3 =	vsel vm0, $0xFFFFFFFF, v3;
	vm0 =	vgt.f32 v4, $8.999999760e-01;
	v4 =	vimm.s32 $0x0  }
0x79: {  	[tilespmem:$0x1FF80] =	vst v3;
	v3 =	vld [tilespmem:s24+$0x860];
	v4 =	vsel vm0, $0xFFFFFFFF, v4;
	vm0 =	vgt.f32 v0, $8.999999760e-01;
	v0 =	vimm.s32 $0x0  }
0x7a: {  	[tilespmem:$0x1FF90] =	vst v4;
	v4 =	vld [tilespmem:s24+$0x870];
	v0 =	vsel vm0, $0xFFFFFFFF, v0  }
0x7b: {  	[tilespmem:$0x1FFA0] =	vst v0;
	v0 =	vld [tilespmem:s24+$0xC00]  }
0x7c: {  	vm9 =	vgt.f32 v5, $8.999999760e-01;
	vm0 =	vgt.f32 v2, $8.999999760e-01;
	v2 =	vimm.s32 $0x0  }
0x7d: {  	v5 =	vld [tilespmem:s24+$0x2000];
	v2 =	vsel vm0, $0xFFFFFFFF, v2;
	vm0 =	vgt.f32 v1, $8.999999760e-01;
	v1 =	vimm.s32 $0x0  }
0x7e: {  	[tilespmem:$0x1FFB0] =	vst v2;
	v2 =	vld [tilespmem:s24+$0xC10];
	v1 =	vsel vm0, $0xFFFFFFFF, v1;
	vm0 =	vgt.f32 v3, $8.999999760e-01;
	v3 =	vimm.s32 $0x0  }
0x7f: {  	[tilespmem:$0x1FFC0] =	vst v1;
	v1 =	vld [tilespmem:s24+$0xC20];
	v3 =	vsel vm0, $0xFFFFFFFF, v3;
	vm0 =	vgt.f32 v4, $8.999999760e-01;
	v4 =	vimm.s32 $0x0  }
0x80: {  	[tilespmem:$0x1FFD0] =	vst v3;
	v3 =	vld [tilespmem:s24+$0xC30];
	v4 =	vsel vm0, $0xFFFFFFFF, v4;
	vm0 =	vgt.f32 v0, $8.999999760e-01;
	v0 =	vimm.s32 $0x0  }
0x81: {  	[tilespmem:$0x1FFE0] =	vst v4;
	v4 =	vld [tilespmem:s24+$0xC40];
	v0 =	vsel vm0, $0xFFFFFFFF, v0  }
0x82: {  	[tilespmem:$0x1FFF0] =	vst v0;
	v0 =	vld [tilespmem:s24+$0xC50]  }
0x83: {  	vm5 =	vgt.f32 v2, $8.999999760e-01;
	v2 =	vld [tilespmem:s24+$0xC60]  }
0x84: {  	vm4 =	vgt.f32 v1, $8.999999760e-01;
	v1 =	vld [tilespmem:s24+$0x2010]  }
0x85: {  	vm3 =	vgt.f32 v3, $8.999999760e-01;
	v3 =	vld [tilespmem:s24+$0x2020]  }
0x86: {  	vm2 =	vgt.f32 v4, $8.999999760e-01;
	v4 =	vld [tilespmem:s24+$0x2030]  }
0x87: {  	vm1 =	vgt.f32 v0, $8.999999760e-01;
	v0 =	vld [tilespmem:s24+$0x2040]  }
0x88: {  	vm0 =	vgt.f32 v2, $8.999999760e-01;
	v2 =	vnsel vm6, $0x0, v5;
	v5 =	vld [tilespmem:s24+$0x2050]  }
0x89: {  	[tilespmem:s24+$0x6000] =	vst v2;
	v1 =	vnsel vm7, $0x0, v1;
	v2 =	vld [tilespmem:s24+$0x2060]  }
0x8a: {  	[tilespmem:s24+$0x6010] =	vst v1;
	v1 =	vnsel vm8, $0x0, v3;
	v3 =	vld [tilespmem:s24+$0x2070]  }
0x8b: {  	[tilespmem:s24+$0x6020] =	vst v1;
	v1 =	vnsel vm9, $0x0, v4;
	v4 =	vld [tilespmem:s24+$0x2400]  }
0x8c: {  	[tilespmem:s24+$0x6030] =	vst v1;
	v0 =	vnsel vm10, $0x0, v0;
	v1 =	vld [tilespmem:s24+$0x2410]  }
0x8d: {  	[tilespmem:s24+$0x6040] =	vst v0;
	v0 =	vnsel vm11, $0x0, v5  }
0x8e: {  	[tilespmem:s24+$0x6050] =	vst v0;
	v0 =	vnsel vm12, $0x0, v2  }
0x8f: {  	[tilespmem:s24+$0x6060] =	vst v0;
	v0 =	vnsel vm13, $0x0, v3  }
0x90: {  	[tilespmem:s24+$0x6070] =	vst v0;
	v0 =	vnsel vm14, $0x0, v4  }
0x91: {  	[tilespmem:s24+$0x6400] =	vst v0;
	v0 =	vnsel vm15, $0x0, v1  }
0x92: {  	[tilespmem:s24+$0x6410] =	vst v0;
	v0 =	vld [tilespmem:$0x1FF10]  }
0x93: {  	v5 =	vld [tilespmem:s24+$0x2420];
	_ =	sdelay $0x3  }
0x94: {  	vm6 =	vnez.u8 v0  }
0x95: {  	v0 =	vnsel vm6, $0x0, v5  }
0x96: {  	[tilespmem:s24+$0x6420] =	vst v0;
	v0 =	vld [tilespmem:$0x1FF20]  }
0x97: {  	v2 =	vld [tilespmem:s24+$0x2430];
	_ =	sdelay $0x3  }
0x98: {  	vm6 =	vnez.u8 v0  }
0x99: {  	v0 =	vnsel vm6, $0x0, v2  }
0x9a: {  	[tilespmem:s24+$0x6430] =	vst v0;
	v0 =	vld [tilespmem:$0x1FF30]  }
0x9b: {  	v3 =	vld [tilespmem:s24+$0x2440];
	_ =	sdelay $0x3  }
0x9c: {  	vm6 =	vnez.u8 v0  }
0x9d: {  	v0 =	vnsel vm6, $0x0, v3  }
0x9e: {  	[tilespmem:s24+$0x6440] =	vst v0;
	v0 =	vld [tilespmem:$0x1FF40]  }
0x9f: {  	v4 =	vld [tilespmem:s24+$0x2450];
	_ =	sdelay $0x3  }
0xa0: {  	vm6 =	vnez.u8 v0  }
0xa1: {  	v0 =	vnsel vm6, $0x0, v4  }
0xa2: {  	[tilespmem:s24+$0x6450] =	vst v0;
	v0 =	vld [tilespmem:$0x1FF50]  }
0xa3: {  	v1 =	vld [tilespmem:s24+$0x2460];
	_ =	sdelay $0x3  }
0xa4: {  	vm6 =	vnez.u8 v0  }
0xa5: {  	v0 =	vnsel vm6, $0x0, v1  }
0xa6: {  	[tilespmem:s24+$0x6460] =	vst v0;
	v0 =	vld [tilespmem:$0x1FF60]  }
0xa7: {  	v5 =	vld [tilespmem:s24+$0x2470];
	_ =	sdelay $0x3  }
0xa8: {  	vm6 =	vnez.u8 v0  }
0xa9: {  	v0 =	vnsel vm6, $0x0, v5  }
0xaa: {  	[tilespmem:s24+$0x6470] =	vst v0;
	v0 =	vld [tilespmem:$0x1FF70]  }
0xab: {  	v2 =	vld [tilespmem:s24+$0x2800];
	_ =	sdelay $0x3  }
0xac: {  	vm6 =	vnez.u8 v0  }
0xad: {  	v0 =	vnsel vm6, $0x0, v2  }
0xae: {  	[tilespmem:s24+$0x6800] =	vst v0;
	v0 =	vld [tilespmem:$0x1FF80]  }
0xaf: {  	v3 =	vld [tilespmem:s24+$0x2810];
	_ =	sdelay $0x3  }
0xb0: {  	vm6 =	vnez.u8 v0  }
0xb1: {  	v0 =	vnsel vm6, $0x0, v3  }
0xb2: {  	[tilespmem:s24+$0x6810] =	vst v0;
	v0 =	vld [tilespmem:$0x1FF90]  }
0xb3: {  	v4 =	vld [tilespmem:s24+$0x2820];
	_ =	sdelay $0x3  }
0xb4: {  	vm6 =	vnez.u8 v0  }
0xb5: {  	v0 =	vnsel vm6, $0x0, v4  }
0xb6: {  	[tilespmem:s24+$0x6820] =	vst v0;
	v0 =	vld [tilespmem:$0x1FFA0]  }
0xb7: {  	v1 =	vld [tilespmem:s24+$0x2830];
	_ =	sdelay $0x3  }
0xb8: {  	vm6 =	vnez.u8 v0  }
0xb9: {  	v0 =	vnsel vm6, $0x0, v1  }
0xba: {  	[tilespmem:s24+$0x6830] =	vst v0;
	v0 =	vld [tilespmem:$0x1FFB0]  }
0xbb: {  	v5 =	vld [tilespmem:s24+$0x2840];
	_ =	sdelay $0x3  }
0xbc: {  	vm6 =	vnez.u8 v0  }
0xbd: {  	v1 =	vnsel vm6, $0x0, v5  }
0xbe: {  	[tilespmem:s24+$0x6840] =	vst v1;
	v1 =	vld [tilespmem:$0x1FFC0]  }
0xbf: {  	v2 =	vld [tilespmem:s24+$0x2850];
	_ =	sdelay $0x3  }
0xc0: {  	vm6 =	vnez.u8 v1  }
0xc1: {  	v2 =	vnsel vm6, $0x0, v2  }
0xc2: {  	[tilespmem:s24+$0x6850] =	vst v2;
	v2 =	vld [tilespmem:$0x1FFD0]  }
0xc3: {  	v3 =	vld [tilespmem:s24+$0x2860];
	_ =	sdelay $0x3  }
0xc4: {  	vm6 =	vnez.u8 v2  }
0xc5: {  	v3 =	vnsel vm6, $0x0, v3  }
0xc6: {  	[tilespmem:s24+$0x6860] =	vst v3;
	v3 =	vld [tilespmem:$0x1FFE0]  }
0xc7: {  	v4 =	vld [tilespmem:s24+$0x2870];
	_ =	sdelay $0x3  }
0xc8: {  	vm6 =	vnez.u8 v3  }
0xc9: {  	v4 =	vnsel vm6, $0x0, v4  }
0xca: {  	[tilespmem:s24+$0x6870] =	vst v4;
	v4 =	vld [tilespmem:$0x1FFF0]  }
0xcb: {  	p1 =	sne.s32 s26, $0x1E00;
	v6 =	vld [tilespmem:s24+$0x2C00]  }
.Ltmp0:
0xcc: {  	v0 =	vld [tilespmem:s24+$0x2C10];
	(pc) =	sbr.rel @p1 .LBB2_3-.Ltmp0, $4  }
0xcd: {  	v1 =	vld [tilespmem:s24+$0x2C20]  }
0xce: {  	v2 =	vld [tilespmem:s24+$0x2C30]  }
0xcf: {  	s25 =	sadd.s32 $0x80, s25;
	v3 =	vld [tilespmem:s24+$0x2C40];
	vm6 =	vnez.u8 v4  }
0xd0: {  	s29 =	sand.u32 $0x380, s25;
	s28 =	sand.u32 $0x1000, s26;
	s26 =	sadd.s32 $0x200, s26;
	v4 =	vld [tilespmem:s24+$0x2C50];
	v5 =	vnsel vm6, $0x0, v6  }
0xd1: {  	[tilespmem:s24+$0x6C00] =	vst v5;
	s25 =	sor.u32 s29, s28;
	v48 =	vld [tilespmem:s24+$0x2C60];
	v0 =	vnsel vm5, $0x0, v0  }
0xd2: {  	v6 =	vld [tilespmem:s25+$0xC70];
	[tilespmem:s24+$0x6C10] =	vst v0;
	v49 =	vnsel vm4, $0x0, v1  }
0xd3: {  	v50 =	vld [tilespmem:s25+$0x2C70];
	[tilespmem:s24+$0x6C20] =	vst v49;
	v51 =	vnsel vm3, $0x0, v2  }
0xd4: {  	v52 =	vld [tilespmem:s25+$0x0];
	[tilespmem:s24+$0x6C30] =	vst v51;
	v53 =	vnsel vm2, $0x0, v3  }
0xd5: {  	v54 =	vld [tilespmem:s25+$0x10];
	[tilespmem:s24+$0x6C40] =	vst v53;
	v55 =	vnsel vm1, $0x0, v4  }
0xd6: {  	v56 =	vld [tilespmem:s25+$0x20];
	[tilespmem:s24+$0x6C50] =	vst v55;
	v57 =	vnsel vm0, $0x0, v48  }
0xd7: {  	v58 =	vld [tilespmem:s25+$0x30];
	[tilespmem:s24+$0x6C60] =	vst v57  }
0xd8: {  	v0 =	vld [tilespmem:s25+$0x40]  }
0xd9: {  	v7 =	vld [tilespmem:s25+$0x50]  }
0xda: {  	v8 =	vld [tilespmem:s25+$0x60]  }
0xdb: {  	v9 =	vld [tilespmem:s25+$0x70]  }
0xdc: {  	v10 =	vld [tilespmem:s25+$0x400]  }
0xdd: {  	v11 =	vld [tilespmem:s25+$0x410]  }
0xde: {  	v12 =	vld [tilespmem:s25+$0x420]  }
0xdf: {  	v13 =	vld [tilespmem:s25+$0x430]  }
0xe0: {  	v14 =	vld [tilespmem:s25+$0x440]  }
0xe1: {  	v15 =	vld [tilespmem:s25+$0x450]  }
0xe2: {  	v16 =	vld [tilespmem:s25+$0x460]  }
0xe3: {  	v17 =	vld [tilespmem:s25+$0x470]  }
0xe4: {  	v18 =	vld [tilespmem:s25+$0x800]  }
0xe5: {  	v19 =	vld [tilespmem:s25+$0x810]  }
0xe6: {  	v20 =	vld [tilespmem:s25+$0x820]  }
0xe7: {  	v21 =	vld [tilespmem:s25+$0x830]  }
0xe8: {  	v22 =	vld [tilespmem:s25+$0x840]  }
0xe9: {  	v23 =	vld [tilespmem:s25+$0x850]  }
0xea: {  	v24 =	vld [tilespmem:s25+$0x860]  }
0xeb: {  	v25 =	vld [tilespmem:s25+$0x870]  }
0xec: {  	v26 =	vld [tilespmem:s25+$0xC00]  }
0xed: {  	v27 =	vld [tilespmem:s25+$0xC10]  }
0xee: {  	v28 =	vld [tilespmem:s25+$0xC20]  }
0xef: {  	v29 =	vld [tilespmem:s25+$0xC30]  }
0xf0: {  	v30 =	vld [tilespmem:s25+$0xC40]  }
0xf1: {  	v31 =	vld [tilespmem:s25+$0xC50]  }
0xf2: {  	v32 =	vld [tilespmem:s25+$0xC60]  }
0xf3: {  	v33 =	vld [tilespmem:s25+$0x2000]  }
0xf4: {  	v34 =	vld [tilespmem:s25+$0x2010]  }
0xf5: {  	v35 =	vld [tilespmem:s25+$0x2020]  }
0xf6: {  	vm8 =	vgt.f32 v6, $8.999999760e-01;
	v59 =	vld [tilespmem:s25+$0x2030]  }
0xf7: {  	v1 =	vnsel vm8, $0x0, v50;
	v60 =	vld [tilespmem:s25+$0x2040];
	vm9 =	vgt.f32 v52, $8.999999760e-01  }
0xf8: {  	v62 =	vld [tilespmem:s25+$0x2050];
	[tilespmem:s25+$0x6C70] =	vst v1;
	vm10 =	vgt.f32 v54, $8.999999760e-01;
	v61 =	vnsel vm9, $0x0, v33  }
0xf9: {  	v36 =	vld [tilespmem:s25+$0x2060];
	vm11 =	vgt.f32 v56, $8.999999760e-01;
	v63 =	vnsel vm10, $0x0, v34;
	[tilespmem:s25+$0x6000] =	vst v61  }
0xfa: {  	v37 =	vld [tilespmem:s25+$0x2070];
	vm12 =	vgt.f32 v58, $8.999999760e-01;
	v4 =	vnsel vm11, $0x0, v35;
	[tilespmem:s25+$0x6010] =	vst v63  }
0xfb: {  	v38 =	vld [tilespmem:s25+$0x2400];
	v6 =	vnsel vm12, $0x0, v59;
	vm13 =	vgt.f32 v0, $8.999999760e-01;
	[tilespmem:s25+$0x6020] =	vst v4  }
0xfc: {  	v39 =	vld [tilespmem:s25+$0x2410];
	vm14 =	vgt.f32 v7, $8.999999760e-01;
	v2 =	vnsel vm13, $0x0, v60;
	[tilespmem:s25+$0x6030] =	vst v6  }
0xfd: {  	v40 =	vld [tilespmem:s25+$0x2420];
	vm15 =	vgt.f32 v8, $8.999999760e-01;
	v3 =	vnsel vm14, $0x0, v62;
	[tilespmem:s25+$0x6040] =	vst v2  }
0xfe: {  	v41 =	vld [tilespmem:s25+$0x2430];
	vm4 =	vgt.f32 v9, $8.999999760e-01;
	v1 =	vnsel vm15, $0x0, v36;
	[tilespmem:s25+$0x6050] =	vst v3  }
0xff: {  	v42 =	vld [tilespmem:s25+$0x2440];
	vm5 =	vgt.f32 v10, $8.999999760e-01;
	v5 =	vnsel vm4, $0x0, v37;
	[tilespmem:s25+$0x6060] =	vst v1  }
0x100: {  	v43 =	vld [tilespmem:s25+$0x2450];
	vm6 =	vgt.f32 v11, $8.999999760e-01;
	v0 =	vnsel vm5, $0x0, v38;
	[tilespmem:s25+$0x6070] =	vst v5  }
0x101: {  	v44 =	vld [tilespmem:s25+$0x2460];
	vm7 =	vgt.f32 v12, $8.999999760e-01;
	v4 =	vnsel vm6, $0x0, v39;
	[tilespmem:s25+$0x6400] =	vst v0  }
0x102: {  	v45 =	vld [tilespmem:s25+$0x2470];
	vm8 =	vgt.f32 v13, $8.999999760e-01;
	v2 =	vnsel vm7, $0x0, v40;
	[tilespmem:s25+$0x6410] =	vst v4  }
0x103: {  	v46 =	vld [tilespmem:s25+$0x2800];
	vm9 =	vgt.f32 v14, $8.999999760e-01;
	v3 =	vnsel vm8, $0x0, v41;
	[tilespmem:s25+$0x6420] =	vst v2  }
0x104: {  	v47 =	vld [tilespmem:s25+$0x2810];
	vm10 =	vgt.f32 v15, $8.999999760e-01;
	v1 =	vnsel vm9, $0x0, v42;
	[tilespmem:s25+$0x6430] =	vst v3  }
0x105: {  	v48 =	vld [tilespmem:s25+$0x2820];
	vm11 =	vgt.f32 v16, $8.999999760e-01;
	v5 =	vnsel vm10, $0x0, v43;
	[tilespmem:s25+$0x6440] =	vst v1  }
0x106: {  	v49 =	vld [tilespmem:s25+$0x2830];
	vm12 =	vgt.f32 v17, $8.999999760e-01;
	v0 =	vnsel vm11, $0x0, v44;
	[tilespmem:s25+$0x6450] =	vst v5  }
0x107: {  	v50 =	vld [tilespmem:s25+$0x2840];
	vm13 =	vgt.f32 v18, $8.999999760e-01;
	v4 =	vnsel vm12, $0x0, v45;
	[tilespmem:s25+$0x6460] =	vst v0  }
0x108: {  	v51 =	vld [tilespmem:s25+$0x2850];
	vm14 =	vgt.f32 v19, $8.999999760e-01;
	v2 =	vnsel vm13, $0x0, v46;
	[tilespmem:s25+$0x6470] =	vst v4  }
0x109: {  	v52 =	vld [tilespmem:s25+$0x2860];
	vm15 =	vgt.f32 v20, $8.999999760e-01;
	v3 =	vnsel vm14, $0x0, v47;
	[tilespmem:s25+$0x6800] =	vst v2  }
0x10a: {  	v53 =	vld [tilespmem:s25+$0x2870];
	vm4 =	vgt.f32 v21, $8.999999760e-01;
	v1 =	vnsel vm15, $0x0, v48;
	[tilespmem:s25+$0x6810] =	vst v3  }
0x10b: {  	v54 =	vld [tilespmem:s25+$0x2C00];
	vm5 =	vgt.f32 v22, $8.999999760e-01;
	v5 =	vnsel vm4, $0x0, v49;
	[tilespmem:s25+$0x6820] =	vst v1  }
0x10c: {  	v55 =	vld [tilespmem:s25+$0x2C10];
	vm6 =	vgt.f32 v23, $8.999999760e-01;
	v0 =	vnsel vm5, $0x0, v50;
	[tilespmem:s25+$0x6830] =	vst v5  }
0x10d: {  	v56 =	vld [tilespmem:s25+$0x2C20];
	vm7 =	vgt.f32 v24, $8.999999760e-01;
	v4 =	vnsel vm6, $0x0, v51;
	[tilespmem:s25+$0x6840] =	vst v0  }
0x10e: {  	v57 =	vld [tilespmem:s25+$0x2C30];
	vm8 =	vgt.f32 v25, $8.999999760e-01;
	v2 =	vnsel vm7, $0x0, v52;
	[tilespmem:s25+$0x6850] =	vst v4  }
0x10f: {  	v58 =	vld [tilespmem:s25+$0x2C40];
	vm9 =	vgt.f32 v26, $8.999999760e-01;
	v3 =	vnsel vm8, $0x0, v53;
	[tilespmem:s25+$0x6860] =	vst v2  }
0x110: {  	v59 =	vld [tilespmem:s25+$0x2C50];
	vm10 =	vgt.f32 v27, $8.999999760e-01;
	v1 =	vnsel vm9, $0x0, v54;
	[tilespmem:s25+$0x6870] =	vst v3  }
0x111: {  	v60 =	vld [tilespmem:s25+$0x2C60];
	vm11 =	vgt.f32 v28, $8.999999760e-01;
	v5 =	vnsel vm10, $0x0, v55;
	[tilespmem:s25+$0x6C00] =	vst v1  }
0x112: {  	vm12 =	vgt.f32 v29, $8.999999760e-01;
	v0 =	vnsel vm11, $0x0, v56;
	[tilespmem:s25+$0x6C10] =	vst v5  }
0x113: {  	p1 =	sne.s32 s20, $0xD;
	vm13 =	vgt.f32 v30, $8.999999760e-01;
	v4 =	vnsel vm12, $0x0, v57;
	[tilespmem:s25+$0x6C20] =	vst v0  }
.Ltmp1:
0x114: {  	vm14 =	vgt.f32 v31, $8.999999760e-01;
	v61 =	vnsel vm13, $0x0, v58;
	[tilespmem:s25+$0x6C30] =	vst v4;
	(pc) =	sbr.rel @p1 .LBB2_6-.Ltmp1, $4  }
0x115: {  	vm15 =	vgt.f32 v32, $8.999999760e-01;
	v62 =	vnsel vm14, $0x0, v59;
	[tilespmem:s25+$0x6C40] =	vst v61  }
0x116: {  	v63 =	vnsel vm15, $0x0, v60;
	[tilespmem:s25+$0x6C50] =	vst v62  }
0x117: {  	s23 =	sadd.s32 s6, s23;
	[tilespmem:s25+$0x6C60] =	vst v63  }
0x118: {  	[hbm4b:s23+s3] =	stream.linear.scatter [tilespmem:s14], [sflag:$0x4], $0x2000, $0x38;
	[tilespmem:$0xA000] =	vst v63  }
.Ltmp2:
0x119: {  	(pc) =	sbr.rel .LBB2_7-.Ltmp2, $4  }
0x11a: {  	_ = 	snop  }
0x11b: {  	_ =	swait.ge [sflag:s15], $0x2000  }
0x11c: {  	[sflag:s15] =	ssyncset.done $0x0  }
0x11d: {  	[sflag:s15] =	ssyncadd.s32 $0xFFFFE000  }
.LBB2_6:
0x11e: {  	s22 =	sadd.s32 s8, s22  }
0x11f: {  	s22 =	sshrl.u32 s22, $0x3  }
.Ltmp3:
0x120: {  	s22 =	sadd.s32 s2, s22;
	(pc) =	sbr.rel @p0 .LBB2_8-.Ltmp3, $4  }
0x121: {  	[tilespmem:s11], [sflag:$0x2] =	stream.linear.gather [hbm4b:s22+s3], $0x2000, $0x38;
	[tilespmem:$0xA000] =	vst v63  }
0x122: {  	_ =	swait.ge [sflag:s15], $0x2000  }
0x123: {  	[sflag:s15] =	ssyncset.done $0x0  }
0x124: {  	[sflag:s15] =	ssyncadd.s32 $0xFFFFE000  }
.LBB2_7:
0x125: {  	_ =	swait.ge [sflag:s16], $0x2000  }
0x126: {  	[sflag:s16] =	ssyncset.done $0x0  }
0x127: {  	[sflag:s16] =	ssyncadd.s32 $0xFFFFE000  }
.LBB2_8:
0x128: {  	s22 =	simm.s32 $0x0  }
0x129: {  	s23 =	sand.u32 $0x1000, s22;
	s22 =	sand.u32 $0x380, s22  }
0x12a: {  	s22 =	sor.u32 s22, s23  }
0x12b: {  	v0 =	vld [tilespmem:s22+$0xC70]  }
0x12c: {  	v1 =	vld [tilespmem:s22+$0x4C70]  }
0x12d: {  	v2 =	vld [tilespmem:s22+$0x0]  }
0x12e: {  	v3 =	vld [tilespmem:s22+$0x10]  }
0x12f: {  	v4 =	vld [tilespmem:s22+$0x20]  }
0x130: {  	v5 =	vld [tilespmem:s22+$0x30]  }
0x131: {  	v6 =	vld [tilespmem:s22+$0x50]  }
0x132: {  	v7 =	vld [tilespmem:s22+$0x70]  }
0x133: {  	v8 =	vld [tilespmem:s22+$0x400]  }
0x134: {  	v9 =	vld [tilespmem:s22+$0x410]  }
0x135: {  	v10 =	vld [tilespmem:s22+$0x420]  }
0x136: {  	v11 =	vld [tilespmem:s22+$0x430]  }
0x137: {  	v12 =	vld [tilespmem:s22+$0x440]  }
0x138: {  	v13 =	vld [tilespmem:s22+$0x450]  }
0x139: {  	v14 =	vld [tilespmem:s22+$0x460]  }
0x13a: {  	v15 =	vld [tilespmem:s22+$0x470]  }
0x13b: {  	v16 =	vld [tilespmem:s22+$0x800]  }
0x13c: {  	v17 =	vld [tilespmem:s22+$0x810]  }
0x13d: {  	v18 =	vld [tilespmem:s22+$0x820]  }
0x13e: {  	v19 =	vld [tilespmem:s22+$0x830]  }
0x13f: {  	v20 =	vld [tilespmem:s22+$0x840]  }
0x140: {  	v21 =	vld [tilespmem:s22+$0x850]  }
0x141: {  	v22 =	vld [tilespmem:s22+$0x860]  }
0x142: {  	v23 =	vld [tilespmem:s22+$0x870]  }
0x143: {  	v24 =	vld [tilespmem:s22+$0xC00]  }
0x144: {  	v25 =	vld [tilespmem:s22+$0xC10]  }
0x145: {  	v26 =	vld [tilespmem:s22+$0xC20]  }
0x146: {  	v27 =	vld [tilespmem:s22+$0xC30]  }
0x147: {  	v28 =	vld [tilespmem:s22+$0xC40]  }
0x148: {  	v29 =	vld [tilespmem:s22+$0xC50]  }
0x149: {  	v30 =	vld [tilespmem:s22+$0xC60]  }
0x14a: {  	v31 =	vld [tilespmem:s22+$0x4000]  }
0x14b: {  	v32 =	vld [tilespmem:s22+$0x4010]  }
0x14c: {  	v33 =	vld [tilespmem:s22+$0x4020]  }
0x14d: {  	v34 =	vld [tilespmem:s22+$0x4030]  }
0x14e: {  	v35 =	vld [tilespmem:s22+$0x4050]  }
0x14f: {  	vm0 =	vgt.f32 v0, $8.999999760e-01;
	v0 =	vld [tilespmem:s22+$0x40]  }
0x150: {  	v1 =	vnsel vm0, $0x0, v1;
	vm0 =	vgt.f32 v2, $8.999999760e-01;
	v2 =	vld [tilespmem:s22+$0x4040]  }
0x151: {  	[tilespmem:s22+$0x8C70] =	vst v1;
	v1 =	vld [tilespmem:s22+$0x60];
	v31 =	vnsel vm0, $0x0, v31;
	vm0 =	vgt.f32 v3, $8.999999760e-01  }
0x152: {  	v63 =	vld [tilespmem:s22+$0x4060];
	[tilespmem:s22+$0x8000] =	vst v31;
	v3 =	vnsel vm0, $0x0, v32;
	vm0 =	vgt.f32 v4, $8.999999760e-01  }
0x153: {  	v4 =	vld [tilespmem:s22+$0x4070];
	[tilespmem:s22+$0x8010] =	vst v3;
	v3 =	vnsel vm0, $0x0, v33;
	vm0 =	vgt.f32 v5, $8.999999760e-01  }
0x154: {  	v5 =	vld [tilespmem:s22+$0x4400];
	[tilespmem:s22+$0x8020] =	vst v3;
	v3 =	vnsel vm0, $0x0, v34;
	vm0 =	vgt.f32 v0, $8.999999760e-01  }
0x155: {  	[tilespmem:s22+$0x8030] =	vst v3;
	v0 =	vnsel vm0, $0x0, v2;
	v2 =	vld [tilespmem:s22+$0x4410];
	vm0 =	vgt.f32 v6, $8.999999760e-01  }
0x156: {  	v3 =	vld [tilespmem:s22+$0x4420];
	[tilespmem:s22+$0x8040] =	vst v0;
	v0 =	vnsel vm0, $0x0, v35;
	vm0 =	vgt.f32 v1, $8.999999760e-01  }
0x157: {  	v1 =	vld [tilespmem:s22+$0x4430];
	[tilespmem:s22+$0x8050] =	vst v0;
	v0 =	vnsel vm0, $0x0, v63;
	vm0 =	vgt.f32 v7, $8.999999760e-01  }
0x158: {  	[tilespmem:s22+$0x8060] =	vst v0;
	v0 =	vnsel vm0, $0x0, v4;
	v4 =	vld [tilespmem:s22+$0x4440];
	vm0 =	vgt.f32 v8, $8.999999760e-01  }
0x159: {  	[tilespmem:s22+$0x8070] =	vst v0;
	v0 =	vnsel vm0, $0x0, v5;
	v5 =	vld [tilespmem:s22+$0x4450];
	vm0 =	vgt.f32 v9, $8.999999760e-01  }
0x15a: {  	[tilespmem:s22+$0x8400] =	vst v0;
	v0 =	vnsel vm0, $0x0, v2;
	v2 =	vld [tilespmem:s22+$0x4460];
	vm0 =	vgt.f32 v10, $8.999999760e-01  }
0x15b: {  	[tilespmem:s22+$0x8410] =	vst v0;
	v0 =	vnsel vm0, $0x0, v3;
	v3 =	vld [tilespmem:s22+$0x4470];
	vm0 =	vgt.f32 v11, $8.999999760e-01  }
0x15c: {  	[tilespmem:s22+$0x8420] =	vst v0;
	v0 =	vnsel vm0, $0x0, v1;
	v1 =	vld [tilespmem:s22+$0x4800];
	vm0 =	vgt.f32 v12, $8.999999760e-01  }
0x15d: {  	[tilespmem:s22+$0x8430] =	vst v0;
	v0 =	vnsel vm0, $0x0, v4;
	v4 =	vld [tilespmem:s22+$0x4810];
	vm0 =	vgt.f32 v13, $8.999999760e-01  }
0x15e: {  	[tilespmem:s22+$0x8440] =	vst v0;
	v0 =	vnsel vm0, $0x0, v5;
	v5 =	vld [tilespmem:s22+$0x4820];
	vm0 =	vgt.f32 v14, $8.999999760e-01  }
0x15f: {  	[tilespmem:s22+$0x8450] =	vst v0;
	v0 =	vnsel vm0, $0x0, v2;
	v2 =	vld [tilespmem:s22+$0x4830];
	vm0 =	vgt.f32 v15, $8.999999760e-01  }
0x160: {  	[tilespmem:s22+$0x8460] =	vst v0;
	v0 =	vnsel vm0, $0x0, v3;
	v3 =	vld [tilespmem:s22+$0x4840];
	vm0 =	vgt.f32 v16, $8.999999760e-01  }
0x161: {  	[tilespmem:s22+$0x8470] =	vst v0;
	v0 =	vnsel vm0, $0x0, v1;
	v1 =	vld [tilespmem:s22+$0x4850];
	vm0 =	vgt.f32 v17, $8.999999760e-01  }
0x162: {  	[tilespmem:s22+$0x8800] =	vst v0;
	v0 =	vnsel vm0, $0x0, v4;
	v4 =	vld [tilespmem:s22+$0x4860];
	vm0 =	vgt.f32 v18, $8.999999760e-01  }
0x163: {  	[tilespmem:s22+$0x8810] =	vst v0;
	v0 =	vnsel vm0, $0x0, v5;
	v5 =	vld [tilespmem:s22+$0x4870];
	vm0 =	vgt.f32 v19, $8.999999760e-01  }
0x164: {  	v6 =	vld [tilespmem:s22+$0x4C00];
	[tilespmem:s22+$0x8820] =	vst v0;
	v0 =	vnsel vm0, $0x0, v2;
	vm0 =	vgt.f32 v20, $8.999999760e-01  }
0x165: {  	vm6 =	vgt.f32 v24, $8.999999760e-01;
	[tilespmem:s22+$0x8830] =	vst v0;
	v2 =	vnsel vm0, $0x0, v3;
	v0 =	vld [tilespmem:s22+$0x4C10];
	vm0 =	vgt.f32 v21, $8.999999760e-01  }
0x166: {  	vm5 =	vgt.f32 v25, $8.999999760e-01;
	[tilespmem:s22+$0x8840] =	vst v2;
	v2 =	vnsel vm0, $0x0, v1;
	v1 =	vld [tilespmem:s22+$0x4C20];
	vm0 =	vgt.f32 v22, $8.999999760e-01  }
0x167: {  	s24 =	simm.s32 $0x200;
	vm4 =	vgt.f32 v26, $8.999999760e-01;
	[tilespmem:s22+$0x8850] =	vst v2;
	v3 =	vnsel vm0, $0x0, v4;
	v2 =	vld [tilespmem:s22+$0x4C30];
	vm0 =	vgt.f32 v23, $8.999999760e-01  }
0x168: {  	s25 =	sand.u32 $0x1000, s24;
	s23 =	simm.s32 $0x80;
	vm3 =	vgt.f32 v27, $8.999999760e-01;
	vm2 =	vgt.f32 v28, $8.999999760e-01;
	[tilespmem:s22+$0x8860] =	vst v3;
	v4 =	vnsel vm0, $0x0, v5;
	v3 =	vld [tilespmem:s22+$0x4C40]  }
0x169: {  	s20 =	sadd.s32 $0x1, s20;
	s24 =	simm.s32 $0x400;
	s26 =	sand.u32 $0x380, s23;
	vm1 =	vgt.f32 v29, $8.999999760e-01;
	vm0 =	vgt.f32 v30, $8.999999760e-01;
	v5 =	vnsel vm6, $0x0, v6;
	[tilespmem:s22+$0x8870] =	vst v4;
	v4 =	vld [tilespmem:s22+$0x4C50]  }
.LBB2_9:
0x16a: {  	s25 =	sor.u32 s26, s25;
	[tilespmem:s22+$0x8C00] =	vst v5;
	v5 =	vld [tilespmem:s22+$0x4C60];
	v0 =	vnsel vm5, $0x0, v0  }
0x16b: {  	v6 =	vld [tilespmem:s25+$0xC70];
	[tilespmem:s22+$0x8C10] =	vst v0;
	v0 =	vnsel vm4, $0x0, v1  }
0x16c: {  	v1 =	vld [tilespmem:s25+$0x4C70];
	[tilespmem:s22+$0x8C20] =	vst v0;
	v0 =	vnsel vm3, $0x0, v2  }
0x16d: {  	v2 =	vld [tilespmem:s25+$0x0];
	[tilespmem:s22+$0x8C30] =	vst v0;
	v0 =	vnsel vm2, $0x0, v3  }
0x16e: {  	v3 =	vld [tilespmem:s25+$0x10];
	[tilespmem:s22+$0x8C40] =	vst v0;
	v0 =	vnsel vm1, $0x0, v4  }
0x16f: {  	v4 =	vld [tilespmem:s25+$0x20];
	[tilespmem:s22+$0x8C50] =	vst v0;
	v0 =	vnsel vm0, $0x0, v5  }
0x170: {  	v5 =	vld [tilespmem:s25+$0x30];
	[tilespmem:s22+$0x8C60] =	vst v0;
	s22 =	smov.u32 s25  }
0x171: {  	vm0 =	vgt.f32 v6, $8.999999760e-01;
	v0 =	vld [tilespmem:s22+$0x40]  }
0x172: {  	v1 =	vnsel vm0, $0x0, v1;
	vm6 =	vgt.f32 v2, $8.999999760e-01;
	v2 =	vld [tilespmem:s22+$0x50]  }
0x173: {  	[tilespmem:s22+$0x8C70] =	vst v1;
	v1 =	vld [tilespmem:s22+$0x60]  }
0x174: {  	vm7 =	vgt.f32 v3, $8.999999760e-01;
	v3 =	vld [tilespmem:s22+$0x70]  }
0x175: {  	vm8 =	vgt.f32 v4, $8.999999760e-01;
	v4 =	vld [tilespmem:s22+$0x400]  }
0x176: {  	vm10 =	vgt.f32 v0, $8.999999760e-01;
	v0 =	vld [tilespmem:s22+$0x410]  }
0x177: {  	vm11 =	vgt.f32 v2, $8.999999760e-01;
	v2 =	vld [tilespmem:s22+$0x420]  }
0x178: {  	vm12 =	vgt.f32 v1, $8.999999760e-01;
	v1 =	vld [tilespmem:s22+$0x430]  }
0x179: {  	vm13 =	vgt.f32 v3, $8.999999760e-01;
	v3 =	vld [tilespmem:s22+$0x440]  }
0x17a: {  	vm14 =	vgt.f32 v4, $8.999999760e-01;
	v4 =	vld [tilespmem:s22+$0x450]  }
0x17b: {  	vm15 =	vgt.f32 v0, $8.999999760e-01;
	v0 =	vld [tilespmem:s22+$0x460]  }
0x17c: {  	vm0 =	vgt.f32 v2, $8.999999760e-01;
	v2 =	vimm.s32 $0x0  }
0x17d: {  	v2 =	vsel vm0, $0xFFFFFFFF, v2;
	vm0 =	vgt.f32 v1, $8.999999760e-01;
	v1 =	vimm.s32 $0x0  }
0x17e: {  	[tilespmem:$0x1FE20] =	vst v2;
	v2 =	vld [tilespmem:s22+$0x470];
	v1 =	vsel vm0, $0xFFFFFFFF, v1;
	vm0 =	vgt.f32 v3, $8.999999760e-01;
	v3 =	vimm.s32 $0x0  }
0x17f: {  	[tilespmem:$0x1FE30] =	vst v1;
	v1 =	vld [tilespmem:s22+$0x800];
	v3 =	vsel vm0, $0xFFFFFFFF, v3;
	vm0 =	vgt.f32 v4, $8.999999760e-01;
	v4 =	vimm.s32 $0x0  }
0x180: {  	[tilespmem:$0x1FE40] =	vst v3;
	v3 =	vld [tilespmem:s22+$0x810];
	v4 =	vsel vm0, $0xFFFFFFFF, v4;
	vm0 =	vgt.f32 v0, $8.999999760e-01;
	v0 =	vimm.s32 $0x0  }
0x181: {  	[tilespmem:$0x1FE50] =	vst v4;
	v4 =	vld [tilespmem:s22+$0x820];
	v0 =	vsel vm0, $0xFFFFFFFF, v0  }
0x182: {  	[tilespmem:$0x1FE60] =	vst v0;
	v0 =	vld [tilespmem:s22+$0x830]  }
0x183: {  	vm0 =	vgt.f32 v2, $8.999999760e-01;
	v2 =	vimm.s32 $0x0  }
0x184: {  	v2 =	vsel vm0, $0xFFFFFFFF, v2;
	vm0 =	vgt.f32 v1, $8.999999760e-01;
	v1 =	vimm.s32 $0x0  }
0x185: {  	[tilespmem:$0x1FE70] =	vst v2;
	v2 =	vld [tilespmem:s22+$0x840];
	v1 =	vsel vm0, $0xFFFFFFFF, v1;
	vm0 =	vgt.f32 v3, $8.999999760e-01;
	v3 =	vimm.s32 $0x0  }
0x186: {  	[tilespmem:$0x1FE80] =	vst v1;
	v1 =	vld [tilespmem:s22+$0x850];
	v3 =	vsel vm0, $0xFFFFFFFF, v3;
	vm0 =	vgt.f32 v4, $8.999999760e-01;
	v4 =	vimm.s32 $0x0  }
0x187: {  	[tilespmem:$0x1FE90] =	vst v3;
	v3 =	vld [tilespmem:s22+$0x860];
	v4 =	vsel vm0, $0xFFFFFFFF, v4;
	vm0 =	vgt.f32 v0, $8.999999760e-01;
	v0 =	vimm.s32 $0x0  }
0x188: {  	[tilespmem:$0x1FEA0] =	vst v4;
	v4 =	vld [tilespmem:s22+$0x870];
	v0 =	vsel vm0, $0xFFFFFFFF, v0  }
0x189: {  	[tilespmem:$0x1FEB0] =	vst v0;
	v0 =	vld [tilespmem:s22+$0xC00]  }
0x18a: {  	vm9 =	vgt.f32 v5, $8.999999760e-01;
	vm0 =	vgt.f32 v2, $8.999999760e-01;
	v2 =	vimm.s32 $0x0  }
0x18b: {  	v5 =	vld [tilespmem:s22+$0x4000];
	v2 =	vsel vm0, $0xFFFFFFFF, v2;
	vm0 =	vgt.f32 v1, $8.999999760e-01;
	v1 =	vimm.s32 $0x0  }
0x18c: {  	[tilespmem:$0x1FEC0] =	vst v2;
	v2 =	vld [tilespmem:s22+$0xC10];
	v1 =	vsel vm0, $0xFFFFFFFF, v1;
	vm0 =	vgt.f32 v3, $8.999999760e-01;
	v3 =	vimm.s32 $0x0  }
0x18d: {  	[tilespmem:$0x1FED0] =	vst v1;
	v1 =	vld [tilespmem:s22+$0xC20];
	v3 =	vsel vm0, $0xFFFFFFFF, v3;
	vm0 =	vgt.f32 v4, $8.999999760e-01;
	v4 =	vimm.s32 $0x0  }
0x18e: {  	[tilespmem:$0x1FEE0] =	vst v3;
	v3 =	vld [tilespmem:s22+$0xC30];
	v4 =	vsel vm0, $0xFFFFFFFF, v4;
	vm0 =	vgt.f32 v0, $8.999999760e-01;
	v0 =	vimm.s32 $0x0  }
0x18f: {  	[tilespmem:$0x1FEF0] =	vst v4;
	v4 =	vld [tilespmem:s22+$0xC40];
	v0 =	vsel vm0, $0xFFFFFFFF, v0  }
0x190: {  	[tilespmem:$0x1FF00] =	vst v0;
	v0 =	vld [tilespmem:s22+$0xC50]  }
0x191: {  	vm5 =	vgt.f32 v2, $8.999999760e-01;
	v2 =	vld [tilespmem:s22+$0xC60]  }
0x192: {  	vm4 =	vgt.f32 v1, $8.999999760e-01;
	v1 =	vld [tilespmem:s22+$0x4010]  }
0x193: {  	vm3 =	vgt.f32 v3, $8.999999760e-01;
	v3 =	vld [tilespmem:s22+$0x4020]  }
0x194: {  	vm2 =	vgt.f32 v4, $8.999999760e-01;
	v4 =	vld [tilespmem:s22+$0x4030]  }
0x195: {  	vm1 =	vgt.f32 v0, $8.999999760e-01;
	v0 =	vld [tilespmem:s22+$0x4040]  }
0x196: {  	vm0 =	vgt.f32 v2, $8.999999760e-01;
	v2 =	vnsel vm6, $0x0, v5;
	v5 =	vld [tilespmem:s22+$0x4050]  }
0x197: {  	[tilespmem:s22+$0x8000] =	vst v2;
	v1 =	vnsel vm7, $0x0, v1;
	v2 =	vld [tilespmem:s22+$0x4060]  }
0x198: {  	[tilespmem:s22+$0x8010] =	vst v1;
	v1 =	vnsel vm8, $0x0, v3;
	v3 =	vld [tilespmem:s22+$0x4070]  }
0x199: {  	[tilespmem:s22+$0x8020] =	vst v1;
	v1 =	vnsel vm9, $0x0, v4;
	v4 =	vld [tilespmem:s22+$0x4400]  }
0x19a: {  	[tilespmem:s22+$0x8030] =	vst v1;
	v0 =	vnsel vm10, $0x0, v0;
	v1 =	vld [tilespmem:s22+$0x4410]  }
0x19b: {  	[tilespmem:s22+$0x8040] =	vst v0;
	v0 =	vnsel vm11, $0x0, v5  }
0x19c: {  	[tilespmem:s22+$0x8050] =	vst v0;
	v0 =	vnsel vm12, $0x0, v2  }
0x19d: {  	[tilespmem:s22+$0x8060] =	vst v0;
	v0 =	vnsel vm13, $0x0, v3  }
0x19e: {  	[tilespmem:s22+$0x8070] =	vst v0;
	v0 =	vnsel vm14, $0x0, v4  }
0x19f: {  	[tilespmem:s22+$0x8400] =	vst v0;
	v0 =	vnsel vm15, $0x0, v1  }
0x1a0: {  	[tilespmem:s22+$0x8410] =	vst v0;
	v0 =	vld [tilespmem:$0x1FE20]  }
0x1a1: {  	v5 =	vld [tilespmem:s22+$0x4420];
	_ =	sdelay $0x3  }
0x1a2: {  	vm6 =	vnez.u8 v0  }
0x1a3: {  	v0 =	vnsel vm6, $0x0, v5  }
0x1a4: {  	[tilespmem:s22+$0x8420] =	vst v0;
	v0 =	vld [tilespmem:$0x1FE30]  }
0x1a5: {  	v2 =	vld [tilespmem:s22+$0x4430];
	_ =	sdelay $0x3  }
0x1a6: {  	vm6 =	vnez.u8 v0  }
0x1a7: {  	v0 =	vnsel vm6, $0x0, v2  }
0x1a8: {  	[tilespmem:s22+$0x8430] =	vst v0;
	v0 =	vld [tilespmem:$0x1FE40]  }
0x1a9: {  	v3 =	vld [tilespmem:s22+$0x4440];
	_ =	sdelay $0x3  }
0x1aa: {  	vm6 =	vnez.u8 v0  }
0x1ab: {  	v0 =	vnsel vm6, $0x0, v3  }
0x1ac: {  	[tilespmem:s22+$0x8440] =	vst v0;
	v0 =	vld [tilespmem:$0x1FE50]  }
0x1ad: {  	v4 =	vld [tilespmem:s22+$0x4450];
	_ =	sdelay $0x3  }
0x1ae: {  	vm6 =	vnez.u8 v0  }
0x1af: {  	v0 =	vnsel vm6, $0x0, v4  }
0x1b0: {  	[tilespmem:s22+$0x8450] =	vst v0;
	v0 =	vld [tilespmem:$0x1FE60]  }
0x1b1: {  	v1 =	vld [tilespmem:s22+$0x4460];
	_ =	sdelay $0x3  }
0x1b2: {  	vm6 =	vnez.u8 v0  }
0x1b3: {  	v0 =	vnsel vm6, $0x0, v1  }
0x1b4: {  	[tilespmem:s22+$0x8460] =	vst v0;
	v0 =	vld [tilespmem:$0x1FE70]  }
0x1b5: {  	v5 =	vld [tilespmem:s22+$0x4470];
	_ =	sdelay $0x3  }
0x1b6: {  	vm6 =	vnez.u8 v0  }
0x1b7: {  	v0 =	vnsel vm6, $0x0, v5  }
0x1b8: {  	[tilespmem:s22+$0x8470] =	vst v0;
	v0 =	vld [tilespmem:$0x1FE80]  }
0x1b9: {  	v2 =	vld [tilespmem:s22+$0x4800];
	_ =	sdelay $0x3  }
0x1ba: {  	vm6 =	vnez.u8 v0  }
0x1bb: {  	v0 =	vnsel vm6, $0x0, v2  }
0x1bc: {  	[tilespmem:s22+$0x8800] =	vst v0;
	v0 =	vld [tilespmem:$0x1FE90]  }
0x1bd: {  	v3 =	vld [tilespmem:s22+$0x4810];
	_ =	sdelay $0x3  }
0x1be: {  	vm6 =	vnez.u8 v0  }
0x1bf: {  	v0 =	vnsel vm6, $0x0, v3  }
0x1c0: {  	[tilespmem:s22+$0x8810] =	vst v0;
	v0 =	vld [tilespmem:$0x1FEA0]  }
0x1c1: {  	v4 =	vld [tilespmem:s22+$0x4820];
	_ =	sdelay $0x3  }
0x1c2: {  	vm6 =	vnez.u8 v0  }
0x1c3: {  	v0 =	vnsel vm6, $0x0, v4  }
0x1c4: {  	[tilespmem:s22+$0x8820] =	vst v0;
	v0 =	vld [tilespmem:$0x1FEB0]  }
0x1c5: {  	v1 =	vld [tilespmem:s22+$0x4830];
	_ =	sdelay $0x3  }
0x1c6: {  	vm6 =	vnez.u8 v0  }
0x1c7: {  	v0 =	vnsel vm6, $0x0, v1  }
0x1c8: {  	[tilespmem:s22+$0x8830] =	vst v0;
	v0 =	vld [tilespmem:$0x1FEC0]  }
0x1c9: {  	v5 =	vld [tilespmem:s22+$0x4840];
	_ =	sdelay $0x3  }
0x1ca: {  	vm6 =	vnez.u8 v0  }
0x1cb: {  	v1 =	vnsel vm6, $0x0, v5  }
0x1cc: {  	[tilespmem:s22+$0x8840] =	vst v1;
	v1 =	vld [tilespmem:$0x1FED0]  }
0x1cd: {  	v2 =	vld [tilespmem:s22+$0x4850];
	_ =	sdelay $0x3  }
0x1ce: {  	vm6 =	vnez.u8 v1  }
0x1cf: {  	v2 =	vnsel vm6, $0x0, v2  }
0x1d0: {  	[tilespmem:s22+$0x8850] =	vst v2;
	v2 =	vld [tilespmem:$0x1FEE0]  }
0x1d1: {  	v3 =	vld [tilespmem:s22+$0x4860];
	_ =	sdelay $0x3  }
0x1d2: {  	vm6 =	vnez.u8 v2  }
0x1d3: {  	v3 =	vnsel vm6, $0x0, v3  }
0x1d4: {  	[tilespmem:s22+$0x8860] =	vst v3;
	v3 =	vld [tilespmem:$0x1FEF0]  }
0x1d5: {  	v4 =	vld [tilespmem:s22+$0x4870];
	_ =	sdelay $0x3  }
0x1d6: {  	vm6 =	vnez.u8 v3  }
0x1d7: {  	v4 =	vnsel vm6, $0x0, v4  }
0x1d8: {  	[tilespmem:s22+$0x8870] =	vst v4;
	v4 =	vld [tilespmem:$0x1FF00]  }
0x1d9: {  	p0 =	sne.s32 s24, $0x1E00;
	v6 =	vld [tilespmem:s22+$0x4C00]  }
.Ltmp4:
0x1da: {  	v0 =	vld [tilespmem:s22+$0x4C10];
	(pc) =	sbr.rel @p0 .LBB2_9-.Ltmp4, $4  }
0x1db: {  	v1 =	vld [tilespmem:s22+$0x4C20]  }
0x1dc: {  	v2 =	vld [tilespmem:s22+$0x4C30]  }
0x1dd: {  	s23 =	sadd.s32 $0x80, s23;
	v3 =	vld [tilespmem:s22+$0x4C40];
	vm6 =	vnez.u8 v4  }
0x1de: {  	s26 =	sand.u32 $0x380, s23;
	s25 =	sand.u32 $0x1000, s24;
	s24 =	sadd.s32 $0x200, s24;
	v4 =	vld [tilespmem:s22+$0x4C50];
	v5 =	vnsel vm6, $0x0, v6  }
0x1df: {  	[tilespmem:s22+$0x8C00] =	vst v5;
	s23 =	sor.u32 s26, s25;
	v48 =	vld [tilespmem:s22+$0x4C60];
	v0 =	vnsel vm5, $0x0, v0  }
0x1e0: {  	v6 =	vld [tilespmem:s23+$0xC70];
	[tilespmem:s22+$0x8C10] =	vst v0;
	v49 =	vnsel vm4, $0x0, v1  }
0x1e1: {  	v50 =	vld [tilespmem:s23+$0x4C70];
	[tilespmem:s22+$0x8C20] =	vst v49;
	v51 =	vnsel vm3, $0x0, v2  }
0x1e2: {  	v52 =	vld [tilespmem:s23+$0x0];
	[tilespmem:s22+$0x8C30] =	vst v51;
	v53 =	vnsel vm2, $0x0, v3  }
0x1e3: {  	v54 =	vld [tilespmem:s23+$0x10];
	[tilespmem:s22+$0x8C40] =	vst v53;
	v55 =	vnsel vm1, $0x0, v4  }
0x1e4: {  	v56 =	vld [tilespmem:s23+$0x20];
	[tilespmem:s22+$0x8C50] =	vst v55;
	v57 =	vnsel vm0, $0x0, v48  }
0x1e5: {  	v58 =	vld [tilespmem:s23+$0x30];
	[tilespmem:s22+$0x8C60] =	vst v57  }
0x1e6: {  	v0 =	vld [tilespmem:s23+$0x40]  }
0x1e7: {  	v7 =	vld [tilespmem:s23+$0x50]  }
0x1e8: {  	v8 =	vld [tilespmem:s23+$0x60]  }
0x1e9: {  	v9 =	vld [tilespmem:s23+$0x70]  }
0x1ea: {  	v10 =	vld [tilespmem:s23+$0x400]  }
0x1eb: {  	v11 =	vld [tilespmem:s23+$0x410]  }
0x1ec: {  	v12 =	vld [tilespmem:s23+$0x420]  }
0x1ed: {  	v13 =	vld [tilespmem:s23+$0x430]  }
0x1ee: {  	v14 =	vld [tilespmem:s23+$0x440]  }
0x1ef: {  	v15 =	vld [tilespmem:s23+$0x450]  }
0x1f0: {  	v16 =	vld [tilespmem:s23+$0x460]  }
0x1f1: {  	v17 =	vld [tilespmem:s23+$0x470]  }
0x1f2: {  	v18 =	vld [tilespmem:s23+$0x800]  }
0x1f3: {  	v19 =	vld [tilespmem:s23+$0x810]  }
0x1f4: {  	v20 =	vld [tilespmem:s23+$0x820]  }
0x1f5: {  	v21 =	vld [tilespmem:s23+$0x830]  }
0x1f6: {  	v22 =	vld [tilespmem:s23+$0x840]  }
0x1f7: {  	v23 =	vld [tilespmem:s23+$0x850]  }
0x1f8: {  	v24 =	vld [tilespmem:s23+$0x860]  }
0x1f9: {  	v25 =	vld [tilespmem:s23+$0x870]  }
0x1fa: {  	v26 =	vld [tilespmem:s23+$0xC00]  }
0x1fb: {  	v27 =	vld [tilespmem:s23+$0xC10]  }
0x1fc: {  	v28 =	vld [tilespmem:s23+$0xC20]  }
0x1fd: {  	v29 =	vld [tilespmem:s23+$0xC30]  }
0x1fe: {  	v30 =	vld [tilespmem:s23+$0xC40]  }
0x1ff: {  	v31 =	vld [tilespmem:s23+$0xC50]  }
0x200: {  	v32 =	vld [tilespmem:s23+$0xC60]  }
0x201: {  	v33 =	vld [tilespmem:s23+$0x4000]  }
0x202: {  	v34 =	vld [tilespmem:s23+$0x4010]  }
0x203: {  	v35 =	vld [tilespmem:s23+$0x4020]  }
0x204: {  	vm8 =	vgt.f32 v6, $8.999999760e-01;
	v59 =	vld [tilespmem:s23+$0x4030]  }
0x205: {  	v1 =	vnsel vm8, $0x0, v50;
	v60 =	vld [tilespmem:s23+$0x4040];
	vm9 =	vgt.f32 v52, $8.999999760e-01  }
0x206: {  	v62 =	vld [tilespmem:s23+$0x4050];
	[tilespmem:s23+$0x8C70] =	vst v1;
	vm10 =	vgt.f32 v54, $8.999999760e-01;
	v61 =	vnsel vm9, $0x0, v33  }
0x207: {  	v36 =	vld [tilespmem:s23+$0x4060];
	vm11 =	vgt.f32 v56, $8.999999760e-01;
	v63 =	vnsel vm10, $0x0, v34;
	[tilespmem:s23+$0x8000] =	vst v61  }
0x208: {  	v37 =	vld [tilespmem:s23+$0x4070];
	vm12 =	vgt.f32 v58, $8.999999760e-01;
	v4 =	vnsel vm11, $0x0, v35;
	[tilespmem:s23+$0x8010] =	vst v63  }
0x209: {  	v38 =	vld [tilespmem:s23+$0x4400];
	v6 =	vnsel vm12, $0x0, v59;
	vm13 =	vgt.f32 v0, $8.999999760e-01;
	[tilespmem:s23+$0x8020] =	vst v4  }
0x20a: {  	v39 =	vld [tilespmem:s23+$0x4410];
	vm14 =	vgt.f32 v7, $8.999999760e-01;
	v2 =	vnsel vm13, $0x0, v60;
	[tilespmem:s23+$0x8030] =	vst v6  }
0x20b: {  	v40 =	vld [tilespmem:s23+$0x4420];
	vm15 =	vgt.f32 v8, $8.999999760e-01;
	v3 =	vnsel vm14, $0x0, v62;
	[tilespmem:s23+$0x8040] =	vst v2  }
0x20c: {  	v41 =	vld [tilespmem:s23+$0x4430];
	vm4 =	vgt.f32 v9, $8.999999760e-01;
	v1 =	vnsel vm15, $0x0, v36;
	[tilespmem:s23+$0x8050] =	vst v3  }
0x20d: {  	v42 =	vld [tilespmem:s23+$0x4440];
	vm5 =	vgt.f32 v10, $8.999999760e-01;
	v5 =	vnsel vm4, $0x0, v37;
	[tilespmem:s23+$0x8060] =	vst v1  }
0x20e: {  	v43 =	vld [tilespmem:s23+$0x4450];
	vm6 =	vgt.f32 v11, $8.999999760e-01;
	v0 =	vnsel vm5, $0x0, v38;
	[tilespmem:s23+$0x8070] =	vst v5  }
0x20f: {  	v44 =	vld [tilespmem:s23+$0x4460];
	vm7 =	vgt.f32 v12, $8.999999760e-01;
	v4 =	vnsel vm6, $0x0, v39;
	[tilespmem:s23+$0x8400] =	vst v0  }
0x210: {  	v45 =	vld [tilespmem:s23+$0x4470];
	vm8 =	vgt.f32 v13, $8.999999760e-01;
	v2 =	vnsel vm7, $0x0, v40;
	[tilespmem:s23+$0x8410] =	vst v4  }
0x211: {  	v46 =	vld [tilespmem:s23+$0x4800];
	vm9 =	vgt.f32 v14, $8.999999760e-01;
	v3 =	vnsel vm8, $0x0, v41;
	[tilespmem:s23+$0x8420] =	vst v2  }
0x212: {  	v47 =	vld [tilespmem:s23+$0x4810];
	vm10 =	vgt.f32 v15, $8.999999760e-01;
	v1 =	vnsel vm9, $0x0, v42;
	[tilespmem:s23+$0x8430] =	vst v3  }
0x213: {  	v48 =	vld [tilespmem:s23+$0x4820];
	vm11 =	vgt.f32 v16, $8.999999760e-01;
	v5 =	vnsel vm10, $0x0, v43;
	[tilespmem:s23+$0x8440] =	vst v1  }
0x214: {  	v49 =	vld [tilespmem:s23+$0x4830];
	vm12 =	vgt.f32 v17, $8.999999760e-01;
	v0 =	vnsel vm11, $0x0, v44;
	[tilespmem:s23+$0x8450] =	vst v5  }
0x215: {  	v50 =	vld [tilespmem:s23+$0x4840];
	vm13 =	vgt.f32 v18, $8.999999760e-01;
	v4 =	vnsel vm12, $0x0, v45;
	[tilespmem:s23+$0x8460] =	vst v0  }
0x216: {  	v51 =	vld [tilespmem:s23+$0x4850];
	vm14 =	vgt.f32 v19, $8.999999760e-01;
	v2 =	vnsel vm13, $0x0, v46;
	[tilespmem:s23+$0x8470] =	vst v4  }
0x217: {  	v52 =	vld [tilespmem:s23+$0x4860];
	vm15 =	vgt.f32 v20, $8.999999760e-01;
	v3 =	vnsel vm14, $0x0, v47;
	[tilespmem:s23+$0x8800] =	vst v2  }
0x218: {  	v53 =	vld [tilespmem:s23+$0x4870];
	vm4 =	vgt.f32 v21, $8.999999760e-01;
	v1 =	vnsel vm15, $0x0, v48;
	[tilespmem:s23+$0x8810] =	vst v3  }
0x219: {  	v54 =	vld [tilespmem:s23+$0x4C00];
	vm5 =	vgt.f32 v22, $8.999999760e-01;
	v5 =	vnsel vm4, $0x0, v49;
	[tilespmem:s23+$0x8820] =	vst v1  }
0x21a: {  	v55 =	vld [tilespmem:s23+$0x4C10];
	vm6 =	vgt.f32 v23, $8.999999760e-01;
	v0 =	vnsel vm5, $0x0, v50;
	[tilespmem:s23+$0x8830] =	vst v5  }
0x21b: {  	v56 =	vld [tilespmem:s23+$0x4C20];
	vm7 =	vgt.f32 v24, $8.999999760e-01;
	v4 =	vnsel vm6, $0x0, v51;
	[tilespmem:s23+$0x8840] =	vst v0  }
0x21c: {  	v57 =	vld [tilespmem:s23+$0x4C30];
	vm8 =	vgt.f32 v25, $8.999999760e-01;
	v2 =	vnsel vm7, $0x0, v52;
	[tilespmem:s23+$0x8850] =	vst v4  }
0x21d: {  	v58 =	vld [tilespmem:s23+$0x4C40];
	vm9 =	vgt.f32 v26, $8.999999760e-01;
	v3 =	vnsel vm8, $0x0, v53;
	[tilespmem:s23+$0x8860] =	vst v2  }
0x21e: {  	v59 =	vld [tilespmem:s23+$0x4C50];
	vm10 =	vgt.f32 v27, $8.999999760e-01;
	v1 =	vnsel vm9, $0x0, v54;
	[tilespmem:s23+$0x8870] =	vst v3  }
0x21f: {  	v60 =	vld [tilespmem:s23+$0x4C60];
	vm11 =	vgt.f32 v28, $8.999999760e-01;
	v5 =	vnsel vm10, $0x0, v55;
	[tilespmem:s23+$0x8C00] =	vst v1  }
0x220: {  	vm12 =	vgt.f32 v29, $8.999999760e-01;
	v0 =	vnsel vm11, $0x0, v56;
	[tilespmem:s23+$0x8C10] =	vst v5  }
0x221: {  	p0 =	sne.s32 s20, $0xE;
	vm13 =	vgt.f32 v30, $8.999999760e-01;
	v4 =	vnsel vm12, $0x0, v57;
	[tilespmem:s23+$0x8C20] =	vst v0  }
.Ltmp5:
0x222: {  	vm14 =	vgt.f32 v31, $8.999999760e-01;
	v61 =	vnsel vm13, $0x0, v58;
	[tilespmem:s23+$0x8C30] =	vst v4;
	(pc) =	sbr.rel @p0 .LBB2_2-.Ltmp5, $4  }
0x223: {  	vm15 =	vgt.f32 v32, $8.999999760e-01;
	v62 =	vnsel vm14, $0x0, v59;
	[tilespmem:s23+$0x8C40] =	vst v61  }
0x224: {  	v63 =	vnsel vm15, $0x0, v60;
	[tilespmem:s23+$0x8C50] =	vst v62  }
0x225: {  	s21 =	sadd.s32 s6, s21;
	[tilespmem:s23+$0x8C60] =	vst v63  }
0x226: {  	[hbm4b:s21+s3] =	stream.linear.scatter [tilespmem:s17], [sflag:$0x5], $0x2000, $0x38;
	[tilespmem:$0xA000] =	vst v63  }
0x227: {  	s19 =	sadd.s32 $0x1, s19  }
0x228: {  	_ =	swait.ge [sflag:s18], $0x2000;
	p0 =	sne.s32 s19, s9  }
.Ltmp6:
0x229: {  	[sflag:s18] =	ssyncset.done $0x0;
	(pc) =	sbr.rel @p0 .LBB2_1-.Ltmp6, $4  }
0x22a: {  	[sflag:s18] =	ssyncadd.s32 $0xFFFFE000  }
0x22b: {  	_ =	swait.ge [sflag:s16], $0x2000  }
0x22c: {  	[sflag:s16] =	ssyncset.done $0x0  }
0x22d: {  	[sflag:s16] =	ssyncadd.s32 $0xFFFFE000  }
0x22e: {  	_ =	sfence.sel $0x180000  }
0x22f: {  	[bflag:$0x0] =	sbarrier.arrive $0xFFFF  }
0x230: {  	p0 =	sne.s32 s0, $0x0;
	_ =	strace $0x90000047  }
0x231: {  	s0 =	sadd.s32 @!p0 $0x100000, s1;
	[bflag:$0x2] =	sbarrier.arrive $0xFFFF  }
0x232: {  	[sflag:s0] =	ssyncadd.tile.s32 @!p0 $0x1;
	_ =	shalt  }
.Lfunc_end2:
_tile_overlayer_lowered:
.L_overlay_start_2:
0x233: {  	(tag) =	ssettag $0x2  }
0x234: {  	s0 =	rddreg [dreg:$0x0];
	s2 =	stileid.u32  }
0x235: {  	s1 =	rddreg [dreg:$0x1];
	p0 =	sne.s32 s2, $0x0  }
0x236: {  	s3 =	rddreg [dreg:$0x2];
	[bflag:$0x3] =	sbarrier.arrive $0xFFFF;
	s2 =	simm.s32 @!p0 $0x1C06  }
0x237: {  	[timem:s3], [sflag:s2] =	dma.local @!p0 [hbm:s0], s1  }
0x238: {  	s0 =	simm.s32 @!p0 $0x6  }
0x239: {  	_ =	swait.ge @!p0 [sflag:s0], s1  }
0x23a: {  	s1 =	ssub.s32 @!p0 $0x0, s1;
	[sflag:s0] =	ssyncset.done @!p0 $0x0  }
0x23b: {  	[sflag:s0] =	ssyncadd.s32 @!p0 s1  }
0x23c: {  	[bflag:$0x3] =	sbarrier.arrive $0xFFFF  }
0x23d: {  	_ =	shalt  }

</sc_bundles>
